<compile_context>
chip_gen: v7x
topology: tpu7x:2x2x1
jax: 0.10.2.dev20260603
libtpu: 0.0.44.dev20260713+nightly
codegen_flags: <defaults>
</compile_context>

<pallas_src>
import functools

import jax
import jax.numpy as jnp
from jax import lax
from jax.experimental import pallas as pl
from jax.experimental.pallas import tpu as pltpu
from jax.experimental.pallas import tpu_sc as plsc

L = 16


@functools.lru_cache(maxsize=None)
def _make_kernel(B, ZD, V, D, NC, NS):
    NW = NC * NS
    assert B % (8 * NW) == 0 and D % L == 0
    b_per_w = B // NW
    assert b_per_w % L == 0

    mesh = plsc.VectorSubcoreMesh(
        core_axis_name="c", subcore_axis_name="s", num_cores=NC, num_subcores=NS
    )

    @functools.partial(
        pl.kernel,
        mesh=mesh,
        out_type=jax.ShapeDtypeStruct((B, D), jnp.float32),
        scratch_types=[
            pltpu.VMEM((b_per_w,), jnp.int32),
            pltpu.VMEM((ZD, b_per_w), jnp.int32),
            pltpu.VMEM((b_per_w, D), jnp.float32),
            pltpu.SemaphoreType.DMA,
        ],
        compiler_params=pltpu.CompilerParams(needs_layout_passes=False),
    )
    def k(obs_hbm, zt_hbm, table_hbm, out_hbm, obs_v, z_v, rows_v, sem):
        wid = lax.axis_index("s") * NC + lax.axis_index("c")
        base = wid * b_per_w
        pltpu.sync_copy(obs_hbm.at[pl.ds(base, b_per_w)], obs_v)
        pltpu.sync_copy(zt_hbm.at[:, pl.ds(base, b_per_w)], z_v)
        iota = lax.iota(jnp.int32, L)
        for g in range(b_per_w // L):
            acc = obs_v[pl.ds(g * L, L)]
            for j in range(ZD):
                acc = acc + z_v[j, pl.ds(g * L, L)] * (1 << (ZD - 1 - j))
            s = jnp.where(acc >= V, acc - V, acc)

            def fire(k_, carry, s=s, g=g):
                sk = jnp.max(jnp.where(iota == k_, s, 0), axis=0)
                pltpu.make_async_copy(
                    table_hbm.at[sk], rows_v.at[g * L + k_], sem
                ).start()
                return carry

            lax.fori_loop(0, L, fire, 0)
        pltpu.make_async_copy(
            table_hbm.at[pl.ds(0, b_per_w)], rows_v, sem
        ).wait()
        pltpu.sync_copy(rows_v, out_hbm.at[pl.ds(base, b_per_w)])

    return k


def kernel(obs_hash, z, seed_to_action):
    B, ZD = z.shape
    V, D = seed_to_action.shape
    info = plsc.get_sparse_core_info()
    k = _make_kernel(B, ZD, V, D, info.num_cores, info.num_subcores)
    return k(
        obs_hash.astype(jnp.int32),
        z.astype(jnp.int32).T,
        seed_to_action,
    )

# --- scband reference (transcript-rebuilt; emitter-appended) ---
"""Pipeline reference for scband-sampling-seed-actor-90640989815328 (READ-ONLY COPY).

The authoritative reference and input builder live on the scoring server;
editing this copy changes nothing except your own understanding.
"""

import jax, jax.numpy as jnp
import numpy as np

Z_DIM = 16
ACTION_DIM = 64
BATCH = 4096
MAX_SEED = 2 ** Z_DIM + 20000


def setup_inputs(seed: int = 0) -> dict:
    key = jax.random.key(seed)
    k1, k2, k3 = jax.random.split(key, 3)
    obs_hash = jax.random.randint(k1, (BATCH,), 0, MAX_SEED)
    z = jax.random.randint(k2, (BATCH, Z_DIM), 0, 2)
    # learned/precomputed lookup table: seed -> action in [-1, 1]
    seed_to_action = jax.random.uniform(k3, (MAX_SEED, ACTION_DIM), dtype=jnp.float32) * 2.0 - 1.0
    return {"obs_hash": obs_hash, "z": z, "seed_to_action": seed_to_action}


def reference(obs_hash, z, seed_to_action):
    z_dim = z.shape[1]
    max_seed = seed_to_action.shape[0]
    # powers = [2^(z_dim-1), ..., 2, 1], broadcast over batch (matches torch repeat)
    powers = (2 ** jnp.arange(z_dim - 1, -1, -1)).astype(z.dtype)
    seed_long = (z * powers[None, :]).sum(axis=1)
    final_seed = (seed_long + obs_hash.reshape(-1)) % max_seed
    actions = jnp.take(seed_to_action, final_seed, axis=0)
    return actions.astype(jnp.float32)

if __name__ == "__main__":
    import jax
    _d = setup_inputs()
    print(jax.jit(kernel)(*tuple(_d.values())))

</pallas_src>

<mosaic_0001>
#map = affine_map<(d0, d1) -> (0)>
#map1 = affine_map<(d0, d1) -> (0, 0)>
module attributes {stable_mosaic.version = 14 : i64} {
  func.func @k(%arg0: i32, %arg1: i32, %arg2: memref<4096xi32, #tpu.memory_space<hbm>>, %arg3: memref<16x4096xi32, #tpu.memory_space<hbm>>, %arg4: memref<85536x64xf32, #tpu.memory_space<hbm>>, %arg5: memref<4096x64xf32, #tpu.memory_space<hbm>>, %arg6: memref<128xi32, #tpu.memory_space<vmem>>, %arg7: memref<16x128xi32, #tpu.memory_space<vmem>>, %arg8: memref<128x64xf32, #tpu.memory_space<vmem>>, %arg9: memref<!tpu.dma_semaphore, #tpu.memory_space<semaphore_mem>>) attributes {dimension_semantics = [#tpu.dimension_semantics<core_parallel>, #tpu.dimension_semantics<subcore_parallel>], iteration_bounds = array<i64: 2, 16>, scalar_prefetch = 0 : i64, scratch_operands = 4 : i64, tpu.core_type = #tpu.core_type<sc_vector_subcore>, window_params = [{transform_indices = #map}, {transform_indices = #map1}, {transform_indices = #map1}, {transform_indices = #map1}]} {
    %mul3A = arith.constant 2 : i32
    %mul3A_0 = arith.muli %arg1, %mul3A : i32
    %add3A = arith.addi %mul3A_0, %arg0 : i32
    %mul3A_1 = arith.constant 128 : i32
    %mul3A_2 = arith.muli %add3A, %mul3A_1 : i32
    "tpu.region"() ({
      %run_scoped3A = tpu.sem_alloc : memref<!tpu.dma_semaphore, #tpu.memory_space<semaphore_mem>>
      %dma_start3A = tpu.memref_slice %arg2[%mul3A_2] : memref<4096xi32, #tpu.memory_space<hbm>> -> memref<128xi32, #tpu.memory_space<hbm>>
      %dma_start3A_1147 = tpu.memref_slice %arg2[%mul3A_2] : memref<4096xi32, #tpu.memory_space<hbm>> -> memref<128xi32, #tpu.memory_space<hbm>>
      tpu.enqueue_dma source(%dma_start3A_1147 : memref<128xi32, #tpu.memory_space<hbm>>) target(%arg6 : memref<128xi32, #tpu.memory_space<vmem>>) target_semaphore(%run_scoped3A : memref<!tpu.dma_semaphore, #tpu.memory_space<semaphore_mem>>)
      %dma_wait3A_1148 = tpu.memref_slice %arg2[%mul3A_2] : memref<4096xi32, #tpu.memory_space<hbm>> -> memref<128xi32, #tpu.memory_space<hbm>>
      %dma_wait3A_1149 = tpu.memref_slice %arg2[%mul3A_2] : memref<4096xi32, #tpu.memory_space<hbm>> -> memref<128xi32, #tpu.memory_space<hbm>>
      tpu.wait_dma2 semaphore(%run_scoped3A : memref<!tpu.dma_semaphore, #tpu.memory_space<semaphore_mem>>) src(%dma_wait3A_1149 : memref<128xi32, #tpu.memory_space<hbm>>) dst(%arg6 : memref<128xi32, #tpu.memory_space<vmem>>)
      tpu.yield
    }) : () -> ()
    "tpu.region"() ({
      %run_scoped3A = tpu.sem_alloc : memref<!tpu.dma_semaphore, #tpu.memory_space<semaphore_mem>>
      %dma_start3A = arith.constant 0 : i32
      %dma_start3A_1147 = tpu.memref_slice %arg3[%dma_start3A, %mul3A_2] : memref<16x4096xi32, #tpu.memory_space<hbm>> -> memref<16x128xi32, #tpu.memory_space<hbm>>
      %dma_start3A_1148 = arith.constant 0 : i32
      %dma_start3A_1149 = tpu.memref_slice %arg3[%dma_start3A_1148, %mul3A_2] : memref<16x4096xi32, #tpu.memory_space<hbm>> -> memref<16x128xi32, #tpu.memory_space<hbm>>
      tpu.enqueue_dma source(%dma_start3A_1149 : memref<16x128xi32, #tpu.memory_space<hbm>>) target(%arg7 : memref<16x128xi32, #tpu.memory_space<vmem>>) target_semaphore(%run_scoped3A : memref<!tpu.dma_semaphore, #tpu.memory_space<semaphore_mem>>)
      %dma_wait3A_1150 = arith.constant 0 : i32
      %dma_wait3A_1151 = tpu.memref_slice %arg3[%dma_wait3A_1150, %mul3A_2] : memref<16x4096xi32, #tpu.memory_space<hbm>> -> memref<16x128xi32, #tpu.memory_space<hbm>>
      %dma_wait3A_1152 = arith.constant 0 : i32
      %dma_wait3A_1153 = tpu.memref_slice %arg3[%dma_wait3A_1152, %mul3A_2] : memref<16x4096xi32, #tpu.memory_space<hbm>> -> memref<16x128xi32, #tpu.memory_space<hbm>>
      tpu.wait_dma2 semaphore(%run_scoped3A : memref<!tpu.dma_semaphore, #tpu.memory_space<semaphore_mem>>) src(%dma_wait3A_1153 : memref<16x128xi32, #tpu.memory_space<hbm>>) dst(%arg7 : memref<16x128xi32, #tpu.memory_space<vmem>>)
      tpu.yield
    }) : () -> ()
    %iota3A = tpu.iota {dimensions = array<i32: 0>} : vector<16xi32>
    %get3A = arith.constant 0 : index
    %get3A_3 = tpu.vector_load %arg6[%get3A] {strides = array<i32>} : memref<128xi32, #tpu.memory_space<vmem>>, vector<16xi32>,
    %get3A_4 = arith.constant 0 : i32
    %get3A_5 = arith.index_cast %get3A_4 : i32 to index
    %get3A_6 = arith.constant 0 : index
    %get3A_7 = tpu.vector_load %arg7[%get3A_5, %get3A_6] {strides = array<i32>} : memref<16x128xi32, #tpu.memory_space<vmem>>, vector<16xi32>,
    %mul3A_8 = arith.constant 32768 : i32
    %mul3A_9 = vector.broadcast %mul3A_8 : i32 to vector<16xi32>
    %mul3A_10 = arith.muli %get3A_7, %mul3A_9 : vector<16xi32>
    %add3A_11 = arith.addi %get3A_3, %mul3A_10 : vector<16xi32>
    %get3A_12 = arith.constant 1 : i32
    %get3A_13 = arith.index_cast %get3A_12 : i32 to index
    %get3A_14 = arith.constant 0 : index
    %get3A_15 = tpu.vector_load %arg7[%get3A_13, %get3A_14] {strides = array<i32>} : memref<16x128xi32, #tpu.memory_space<vmem>>, vector<16xi32>,
    %mul3A_16 = arith.constant 16384 : i32
    %mul3A_17 = vector.broadcast %mul3A_16 : i32 to vector<16xi32>
    %mul3A_18 = arith.muli %get3A_15, %mul3A_17 : vector<16xi32>
    %add3A_19 = arith.addi %add3A_11, %mul3A_18 : vector<16xi32>
    %get3A_20 = arith.constant 2 : i32
    %get3A_21 = arith.index_cast %get3A_20 : i32 to index
    %get3A_22 = arith.constant 0 : index
    %get3A_23 = tpu.vector_load %arg7[%get3A_21, %get3A_22] {strides = array<i32>} : memref<16x128xi32, #tpu.memory_space<vmem>>, vector<16xi32>,
    %mul3A_24 = arith.constant 8192 : i32
    %mul3A_25 = vector.broadcast %mul3A_24 : i32 to vector<16xi32>
    %mul3A_26 = arith.muli %get3A_23, %mul3A_25 : vector<16xi32>
    %add3A_27 = arith.addi %add3A_19, %mul3A_26 : vector<16xi32>
    %get3A_28 = arith.constant 3 : i32
    %get3A_29 = arith.index_cast %get3A_28 : i32 to index
    %get3A_30 = arith.constant 0 : index
    %get3A_31 = tpu.vector_load %arg7[%get3A_29, %get3A_30] {strides = array<i32>} : memref<16x128xi32, #tpu.memory_space<vmem>>, vector<16xi32>,
    %mul3A_32 = arith.constant 4096 : i32
    %mul3A_33 = vector.broadcast %mul3A_32 : i32 to vector<16xi32>
    %mul3A_34 = arith.muli %get3A_31, %mul3A_33 : vector<16xi32>
    %add3A_35 = arith.addi %add3A_27, %mul3A_34 : vector<16xi32>
    %get3A_36 = arith.constant 4 : i32
    %get3A_37 = arith.index_cast %get3A_36 : i32 to index
    %get3A_38 = arith.constant 0 : index
    %get3A_39 = tpu.vector_load %arg7[%get3A_37, %get3A_38] {strides = array<i32>} : memref<16x128xi32, #tpu.memory_space<vmem>>, vector<16xi32>,
    %mul3A_40 = arith.constant 2048 : i32
    %mul3A_41 = vector.broadcast %mul3A_40 : i32 to vector<16xi32>
    %mul3A_42 = arith.muli %get3A_39, %mul3A_41 : vector<16xi32>
    %add3A_43 = arith.addi %add3A_35, %mul3A_42 : vector<16xi32>
    %get3A_44 = arith.constant 5 : i32
    %get3A_45 = arith.index_cast %get3A_44 : i32 to index
    %get3A_46 = arith.constant 0 : index
    %get3A_47 = tpu.vector_load %arg7[%get3A_45, %get3A_46] {strides = array<i32>} : memref<16x128xi32, #tpu.memory_space<vmem>>, vector<16xi32>,
    %mul3A_48 = arith.constant 1024 : i32
    %mul3A_49 = vector.broadcast %mul3A_48 : i32 to vector<16xi32>
    %mul3A_50 = arith.muli %get3A_47, %mul3A_49 : vector<16xi32>
    %add3A_51 = arith.addi %add3A_43, %mul3A_50 : vector<16xi32>
    %get3A_52 = arith.constant 6 : i32
    %get3A_53 = arith.index_cast %get3A_52 : i32 to index
    %get3A_54 = arith.constant 0 : index
    %get3A_55 = tpu.vector_load %arg7[%get3A_53, %get3A_54] {strides = array<i32>} : memref<16x128xi32, #tpu.memory_space<vmem>>, vector<16xi32>,
    %mul3A_56 = arith.constant 512 : i32
    %mul3A_57 = vector.broadcast %mul3A_56 : i32 to vector<16xi32>
    %mul3A_58 = arith.muli %get3A_55, %mul3A_57 : vector<16xi32>
    %add3A_59 = arith.addi %add3A_51, %mul3A_58 : vector<16xi32>
    %get3A_60 = arith.constant 7 : i32
    %get3A_61 = arith.index_cast %get3A_60 : i32 to index
    %get3A_62 = arith.constant 0 : index
    %get3A_63 = tpu.vector_load %arg7[%get3A_61, %get3A_62] {strides = array<i32>} : memref<16x128xi32, #tpu.memory_space<vmem>>, vector<16xi32>,
    %mul3A_64 = arith.constant 256 : i32
    %mul3A_65 = vector.broadcast %mul3A_64 : i32 to vector<16xi32>
    %mul3A_66 = arith.muli %get3A_63, %mul3A_65 : vector<16xi32>
    %add3A_67 = arith.addi %add3A_59, %mul3A_66 : vector<16xi32>
    %get3A_68 = arith.constant 8 : i32
    %get3A_69 = arith.index_cast %get3A_68 : i32 to index
    %get3A_70 = arith.constant 0 : index
    %get3A_71 = tpu.vector_load %arg7[%get3A_69, %get3A_70] {strides = array<i32>} : memref<16x128xi32, #tpu.memory_space<vmem>>, vector<16xi32>,
    %mul3A_72 = arith.constant 128 : i32
    %mul3A_73 = vector.broadcast %mul3A_72 : i32 to vector<16xi32>
    %mul3A_74 = arith.muli %get3A_71, %mul3A_73 : vector<16xi32>
    %add3A_75 = arith.addi %add3A_67, %mul3A_74 : vector<16xi32>
    %get3A_76 = arith.constant 9 : i32
    %get3A_77 = arith.index_cast %get3A_76 : i32 to index
    %get3A_78 = arith.constant 0 : index
    %get3A_79 = tpu.vector_load %arg7[%get3A_77, %get3A_78] {strides = array<i32>} : memref<16x128xi32, #tpu.memory_space<vmem>>, vector<16xi32>,
    %mul3A_80 = arith.constant 64 : i32
    %mul3A_81 = vector.broadcast %mul3A_80 : i32 to vector<16xi32>
    %mul3A_82 = arith.muli %get3A_79, %mul3A_81 : vector<16xi32>
    %add3A_83 = arith.addi %add3A_75, %mul3A_82 : vector<16xi32>
    %get3A_84 = arith.constant 10 : i32
    %get3A_85 = arith.index_cast %get3A_84 : i32 to index
    %get3A_86 = arith.constant 0 : index
    %get3A_87 = tpu.vector_load %arg7[%get3A_85, %get3A_86] {strides = array<i32>} : memref<16x128xi32, #tpu.memory_space<vmem>>, vector<16xi32>,
    %mul3A_88 = arith.constant 32 : i32
    %mul3A_89 = vector.broadcast %mul3A_88 : i32 to vector<16xi32>
    %mul3A_90 = arith.muli %get3A_87, %mul3A_89 : vector<16xi32>
    %add3A_91 = arith.addi %add3A_83, %mul3A_90 : vector<16xi32>
    %get3A_92 = arith.constant 11 : i32
    %get3A_93 = arith.index_cast %get3A_92 : i32 to index
    %get3A_94 = arith.constant 0 : index
    %get3A_95 = tpu.vector_load %arg7[%get3A_93, %get3A_94] {strides = array<i32>} : memref<16x128xi32, #tpu.memory_space<vmem>>, vector<16xi32>,
    %mul3A_96 = arith.constant 16 : i32
    %mul3A_97 = vector.broadcast %mul3A_96 : i32 to vector<16xi32>
    %mul3A_98 = arith.muli %get3A_95, %mul3A_97 : vector<16xi32>
    %add3A_99 = arith.addi %add3A_91, %mul3A_98 : vector<16xi32>
    %get3A_100 = arith.constant 12 : i32
    %get3A_101 = arith.index_cast %get3A_100 : i32 to index
    %get3A_102 = arith.constant 0 : index
    %get3A_103 = tpu.vector_load %arg7[%get3A_101, %get3A_102] {strides = array<i32>} : memref<16x128xi32, #tpu.memory_space<vmem>>, vector<16xi32>,
    %mul3A_104 = arith.constant 8 : i32
    %mul3A_105 = vector.broadcast %mul3A_104 : i32 to vector<16xi32>
    %mul3A_106 = arith.muli %get3A_103, %mul3A_105 : vector<16xi32>
    %add3A_107 = arith.addi %add3A_99, %mul3A_106 : vector<16xi32>
    %get3A_108 = arith.constant 13 : i32
    %get3A_109 = arith.index_cast %get3A_108 : i32 to index
    %get3A_110 = arith.constant 0 : index
    %get3A_111 = tpu.vector_load %arg7[%get3A_109, %get3A_110] {strides = array<i32>} : memref<16x128xi32, #tpu.memory_space<vmem>>, vector<16xi32>,
    %mul3A_112 = arith.constant 4 : i32
    %mul3A_113 = vector.broadcast %mul3A_112 : i32 to vector<16xi32>
    %mul3A_114 = arith.muli %get3A_111, %mul3A_113 : vector<16xi32>
    %add3A_115 = arith.addi %add3A_107, %mul3A_114 : vector<16xi32>
    %get3A_116 = arith.constant 14 : i32
    %get3A_117 = arith.index_cast %get3A_116 : i32 to index
    %get3A_118 = arith.constant 0 : index
    %get3A_119 = tpu.vector_load %arg7[%get3A_117, %get3A_118] {strides = array<i32>} : memref<16x128xi32, #tpu.memory_space<vmem>>, vector<16xi32>,
    %mul3A_120 = arith.constant 2 : i32
    %mul3A_121 = vector.broadcast %mul3A_120 : i32 to vector<16xi32>
    %mul3A_122 = arith.muli %get3A_119, %mul3A_121 : vector<16xi32>
    %add3A_123 = arith.addi %add3A_115, %mul3A_122 : vector<16xi32>
    %get3A_124 = arith.constant 15 : i32
    %get3A_125 = arith.index_cast %get3A_124 : i32 to index
    %get3A_126 = arith.constant 0 : index
    %get3A_127 = tpu.vector_load %arg7[%get3A_125, %get3A_126] {strides = array<i32>} : memref<16x128xi32, #tpu.memory_space<vmem>>, vector<16xi32>,
    %mul3A_128 = arith.constant 1 : i32
    %mul3A_129 = vector.broadcast %mul3A_128 : i32 to vector<16xi32>
    %mul3A_130 = arith.muli %get3A_127, %mul3A_129 : vector<16xi32>
    %add3A_131 = arith.addi %add3A_123, %mul3A_130 : vector<16xi32>
    %ge3A = arith.constant 85536 : i32
    %ge3A_132 = vector.broadcast %ge3A : i32 to vector<16xi32>
    %ge3A_133 = arith.cmpi sge, %add3A_131, %ge3A_132 : vector<16xi32>
    %sub3A = arith.constant 85536 : i32
    %sub3A_134 = vector.broadcast %sub3A : i32 to vector<16xi32>
    %sub3A_135 = arith.subi %add3A_131, %sub3A_134 : vector<16xi32>
    %select_n3A = arith.select %ge3A_133, %sub3A_135, %add3A_131 : vector<16xi1>, vector<16xi32>
    %scan3A = arith.constant 0 : i32
    %scan3A_136 = arith.constant 0 : i32
    %scan3A_137 = arith.constant 16 : i32
    %scan3A_138 = arith.addi %scan3A_136, %scan3A_137 : i32
    %scan3A_139 = arith.constant 1 : i32
    scf.for %scan3A_1147 = %scan3A_136 to %scan3A_138 step %scan3A_139  : i32 {
      %eq3A = vector.broadcast %scan3A_1147 : i32 to vector<16xi32>
      %eq3A_1148 = arith.cmpi eq, %iota3A, %eq3A : vector<16xi32>
      %jit3A = arith.constant 0 : i32
      %broadcast_in_dim3A = vector.broadcast %jit3A : i32 to vector<16xi32>
      %select_n3A_1149 = arith.select %eq3A_1148, %select_n3A, %broadcast_in_dim3A : vector<16xi1>, vector<16xi32>
      %reduce_max3A = arith.constant true
      %reduce_max3A_1150 = vector.broadcast %reduce_max3A : i1 to vector<16xi1>
      %reduce_max3A_1151 = arith.constant -2147483648 : i32
      %reduce_max3A_1152 = vector.broadcast %reduce_max3A_1151 : i32 to vector<16xi32>
      %reduce_max3A_1153 = arith.xori %select_n3A_1149, %reduce_max3A_1152 : vector<16xi32>
      %reduce_max3A_1154 = tpu.scan <max>, %reduce_max3A_1153 masked %reduce_max3A_1150 : vector<16xi32>, vector<16xi1> -> vector<16xi32>
      %reduce_max3A_1155 = arith.xori %reduce_max3A_1154, %reduce_max3A_1152 : vector<16xi32>
      %reduce_max3A_1156 = vector.extract %reduce_max3A_1155[15] : i32 from vector<16xi32>
      %add3A_1157 = arith.constant 0 : i32
      %add3A_1158 = arith.addi %add3A_1157, %scan3A_1147 : i32
      %dma_start3A = arith.constant 0 : i32
      %dma_start3A_1159 = tpu.memref_slice %arg8[%add3A_1158, %dma_start3A] : memref<128x64xf32, #tpu.memory_space<vmem>> -> memref<1x64xf32, #tpu.memory_space<vmem>>
      %dma_start3A_1160 = tpu.memref_squeeze %dma_start3A_1159 : memref<1x64xf32, #tpu.memory_space<vmem>> -> memref<64xf32, #tpu.memory_space<vmem>>
      %dma_start3A_1161 = arith.constant 0 : i32
      %dma_start3A_1162 = tpu.memref_slice %arg4[%reduce_max3A_1156, %dma_start3A_1161] : memref<85536x64xf32, #tpu.memory_space<hbm>> -> memref<1x64xf32, #tpu.memory_space<hbm>>
      %dma_start3A_1163 = tpu.memref_squeeze %dma_start3A_1162 : memref<1x64xf32, #tpu.memory_space<hbm>> -> memref<64xf32, #tpu.memory_space<hbm>>
      %dma_start3A_1164 = arith.constant 0 : i32
      %dma_start3A_1165 = tpu.memref_slice %arg8[%add3A_1158, %dma_start3A_1164] : memref<128x64xf32, #tpu.memory_space<vmem>> -> memref<1x64xf32, #tpu.memory_space<vmem>>
      %dma_start3A_1166 = tpu.memref_squeeze %dma_start3A_1165 : memref<1x64xf32, #tpu.memory_space<vmem>> -> memref<64xf32, #tpu.memory_space<vmem>>
      %dma_start3A_1167 = arith.constant 0 : i32
      %dma_start3A_1168 = tpu.memref_slice %arg4[%reduce_max3A_1156, %dma_start3A_1167] : memref<85536x64xf32, #tpu.memory_space<hbm>> -> memref<1x64xf32, #tpu.memory_space<hbm>>
      %dma_start3A_1169 = tpu.memref_squeeze %dma_start3A_1168 : memref<1x64xf32, #tpu.memory_space<hbm>> -> memref<64xf32, #tpu.memory_space<hbm>>
      tpu.enqueue_dma source(%dma_start3A_1169 : memref<64xf32, #tpu.memory_space<hbm>>) target(%dma_start3A_1166 : memref<64xf32, #tpu.memory_space<vmem>>) target_semaphore(%arg9 : memref<!tpu.dma_semaphore, #tpu.memory_space<semaphore_mem>>)
    }
    %scan3A_140 = arith.constant 16 : i32
    %get3A_141 = arith.constant 16 : index
    %get3A_142 = tpu.vector_load %arg6[%get3A_141] {strides = array<i32>} : memref<128xi32, #tpu.memory_space<vmem>>, vector<16xi32>,
    %get3A_143 = arith.constant 0 : i32
    %get3A_144 = arith.index_cast %get3A_143 : i32 to index
    %get3A_145 = arith.constant 16 : index
    %get3A_146 = tpu.vector_load %arg7[%get3A_144, %get3A_145] {strides = array<i32>} : memref<16x128xi32, #tpu.memory_space<vmem>>, vector<16xi32>,
    %mul3A_147 = arith.constant 32768 : i32
    %mul3A_148 = vector.broadcast %mul3A_147 : i32 to vector<16xi32>
    %mul3A_149 = arith.muli %get3A_146, %mul3A_148 : vector<16xi32>
    %add3A_150 = arith.addi %get3A_142, %mul3A_149 : vector<16xi32>
    %get3A_151 = arith.constant 1 : i32
    %get3A_152 = arith.index_cast %get3A_151 : i32 to index
    %get3A_153 = arith.constant 16 : index
    %get3A_154 = tpu.vector_load %arg7[%get3A_152, %get3A_153] {strides = array<i32>} : memref<16x128xi32, #tpu.memory_space<vmem>>, vector<16xi32>,
    %mul3A_155 = arith.constant 16384 : i32
    %mul3A_156 = vector.broadcast %mul3A_155 : i32 to vector<16xi32>
    %mul3A_157 = arith.muli %get3A_154, %mul3A_156 : vector<16xi32>
    %add3A_158 = arith.addi %add3A_150, %mul3A_157 : vector<16xi32>
    %get3A_159 = arith.constant 2 : i32
    %get3A_160 = arith.index_cast %get3A_159 : i32 to index
    %get3A_161 = arith.constant 16 : index
    %get3A_162 = tpu.vector_load %arg7[%get3A_160, %get3A_161] {strides = array<i32>} : memref<16x128xi32, #tpu.memory_space<vmem>>, vector<16xi32>,
    %mul3A_163 = arith.constant 8192 : i32
    %mul3A_164 = vector.broadcast %mul3A_163 : i32 to vector<16xi32>
    %mul3A_165 = arith.muli %get3A_162, %mul3A_164 : vector<16xi32>
    %add3A_166 = arith.addi %add3A_158, %mul3A_165 : vector<16xi32>
    %get3A_167 = arith.constant 3 : i32
    %get3A_168 = arith.index_cast %get3A_167 : i32 to index
    %get3A_169 = arith.constant 16 : index
    %get3A_170 = tpu.vector_load %arg7[%get3A_168, %get3A_169] {strides = array<i32>} : memref<16x128xi32, #tpu.memory_space<vmem>>, vector<16xi32>,
    %mul3A_171 = arith.constant 4096 : i32
    %mul3A_172 = vector.broadcast %mul3A_171 : i32 to vector<16xi32>
    %mul3A_173 = arith.muli %get3A_170, %mul3A_172 : vector<16xi32>
    %add3A_174 = arith.addi %add3A_166, %mul3A_173 : vector<16xi32>
    %get3A_175 = arith.constant 4 : i32
    %get3A_176 = arith.index_cast %get3A_175 : i32 to index
    %get3A_177 = arith.constant 16 : index
    %get3A_178 = tpu.vector_load %arg7[%get3A_176, %get3A_177] {strides = array<i32>} : memref<16x128xi32, #tpu.memory_space<vmem>>, vector<16xi32>,
    %mul3A_179 = arith.constant 2048 : i32
    %mul3A_180 = vector.broadcast %mul3A_179 : i32 to vector<16xi32>
    %mul3A_181 = arith.muli %get3A_178, %mul3A_180 : vector<16xi32>
    %add3A_182 = arith.addi %add3A_174, %mul3A_181 : vector<16xi32>
    %get3A_183 = arith.constant 5 : i32
    %get3A_184 = arith.index_cast %get3A_183 : i32 to index
    %get3A_185 = arith.constant 16 : index
    %get3A_186 = tpu.vector_load %arg7[%get3A_184, %get3A_185] {strides = array<i32>} : memref<16x128xi32, #tpu.memory_space<vmem>>, vector<16xi32>,
    %mul3A_187 = arith.constant 1024 : i32
    %mul3A_188 = vector.broadcast %mul3A_187 : i32 to vector<16xi32>
    %mul3A_189 = arith.muli %get3A_186, %mul3A_188 : vector<16xi32>
    %add3A_190 = arith.addi %add3A_182, %mul3A_189 : vector<16xi32>
    %get3A_191 = arith.constant 6 : i32
    %get3A_192 = arith.index_cast %get3A_191 : i32 to index
    %get3A_193 = arith.constant 16 : index
    %get3A_194 = tpu.vector_load %arg7[%get3A_192, %get3A_193] {strides = array<i32>} : memref<16x128xi32, #tpu.memory_space<vmem>>, vector<16xi32>,
    %mul3A_195 = arith.constant 512 : i32
    %mul3A_196 = vector.broadcast %mul3A_195 : i32 to vector<16xi32>
    %mul3A_197 = arith.muli %get3A_194, %mul3A_196 : vector<16xi32>
    %add3A_198 = arith.addi %add3A_190, %mul3A_197 : vector<16xi32>
    %get3A_199 = arith.constant 7 : i32
    %get3A_200 = arith.index_cast %get3A_199 : i32 to index
    %get3A_201 = arith.constant 16 : index
    %get3A_202 = tpu.vector_load %arg7[%get3A_200, %get3A_201] {strides = array<i32>} : memref<16x128xi32, #tpu.memory_space<vmem>>, vector<16xi32>,
    %mul3A_203 = arith.constant 256 : i32
    %mul3A_204 = vector.broadcast %mul3A_203 : i32 to vector<16xi32>
    %mul3A_205 = arith.muli %get3A_202, %mul3A_204 : vector<16xi32>
    %add3A_206 = arith.addi %add3A_198, %mul3A_205 : vector<16xi32>
    %get3A_207 = arith.constant 8 : i32
    %get3A_208 = arith.index_cast %get3A_207 : i32 to index
    %get3A_209 = arith.constant 16 : index
    %get3A_210 = tpu.vector_load %arg7[%get3A_208, %get3A_209] {strides = array<i32>} : memref<16x128xi32, #tpu.memory_space<vmem>>, vector<16xi32>,
    %mul3A_211 = arith.constant 128 : i32
    %mul3A_212 = vector.broadcast %mul3A_211 : i32 to vector<16xi32>
    %mul3A_213 = arith.muli %get3A_210, %mul3A_212 : vector<16xi32>
    %add3A_214 = arith.addi %add3A_206, %mul3A_213 : vector<16xi32>
    %get3A_215 = arith.constant 9 : i32
    %get3A_216 = arith.index_cast %get3A_215 : i32 to index
    %get3A_217 = arith.constant 16 : index
    %get3A_218 = tpu.vector_load %arg7[%get3A_216, %get3A_217] {strides = array<i32>} : memref<16x128xi32, #tpu.memory_space<vmem>>, vector<16xi32>,
    %mul3A_219 = arith.constant 64 : i32
    %mul3A_220 = vector.broadcast %mul3A_219 : i32 to vector<16xi32>
    %mul3A_221 = arith.muli %get3A_218, %mul3A_220 : vector<16xi32>
    %add3A_222 = arith.addi %add3A_214, %mul3A_221 : vector<16xi32>
    %get3A_223 = arith.constant 10 : i32
    %get3A_224 = arith.index_cast %get3A_223 : i32 to index
    %get3A_225 = arith.constant 16 : index
    %get3A_226 = tpu.vector_load %arg7[%get3A_224, %get3A_225] {strides = array<i32>} : memref<16x128xi32, #tpu.memory_space<vmem>>, vector<16xi32>,
    %mul3A_227 = arith.constant 32 : i32
    %mul3A_228 = vector.broadcast %mul3A_227 : i32 to vector<16xi32>
    %mul3A_229 = arith.muli %get3A_226, %mul3A_228 : vector<16xi32>
    %add3A_230 = arith.addi %add3A_222, %mul3A_229 : vector<16xi32>
    %get3A_231 = arith.constant 11 : i32
    %get3A_232 = arith.index_cast %get3A_231 : i32 to index
    %get3A_233 = arith.constant 16 : index
    %get3A_234 = tpu.vector_load %arg7[%get3A_232, %get3A_233] {strides = array<i32>} : memref<16x128xi32, #tpu.memory_space<vmem>>, vector<16xi32>,
    %mul3A_235 = arith.constant 16 : i32
    %mul3A_236 = vector.broadcast %mul3A_235 : i32 to vector<16xi32>
    %mul3A_237 = arith.muli %get3A_234, %mul3A_236 : vector<16xi32>
    %add3A_238 = arith.addi %add3A_230, %mul3A_237 : vector<16xi32>
    %get3A_239 = arith.constant 12 : i32
    %get3A_240 = arith.index_cast %get3A_239 : i32 to index
    %get3A_241 = arith.constant 16 : index
    %get3A_242 = tpu.vector_load %arg7[%get3A_240, %get3A_241] {strides = array<i32>} : memref<16x128xi32, #tpu.memory_space<vmem>>, vector<16xi32>,
    %mul3A_243 = arith.constant 8 : i32
    %mul3A_244 = vector.broadcast %mul3A_243 : i32 to vector<16xi32>
    %mul3A_245 = arith.muli %get3A_242, %mul3A_244 : vector<16xi32>
    %add3A_246 = arith.addi %add3A_238, %mul3A_245 : vector<16xi32>
    %get3A_247 = arith.constant 13 : i32
    %get3A_248 = arith.index_cast %get3A_247 : i32 to index
    %get3A_249 = arith.constant 16 : index
    %get3A_250 = tpu.vector_load %arg7[%get3A_248, %get3A_249] {strides = array<i32>} : memref<16x128xi32, #tpu.memory_space<vmem>>, vector<16xi32>,
    %mul3A_251 = arith.constant 4 : i32
    %mul3A_252 = vector.broadcast %mul3A_251 : i32 to vector<16xi32>
    %mul3A_253 = arith.muli %get3A_250, %mul3A_252 : vector<16xi32>
    %add3A_254 = arith.addi %add3A_246, %mul3A_253 : vector<16xi32>
    %get3A_255 = arith.constant 14 : i32
    %get3A_256 = arith.index_cast %get3A_255 : i32 to index
    %get3A_257 = arith.constant 16 : index
    %get3A_258 = tpu.vector_load %arg7[%get3A_256, %get3A_257] {strides = array<i32>} : memref<16x128xi32, #tpu.memory_space<vmem>>, vector<16xi32>,
    %mul3A_259 = arith.constant 2 : i32
    %mul3A_260 = vector.broadcast %mul3A_259 : i32 to vector<16xi32>
    %mul3A_261 = arith.muli %get3A_258, %mul3A_260 : vector<16xi32>
    %add3A_262 = arith.addi %add3A_254, %mul3A_261 : vector<16xi32>
    %get3A_263 = arith.constant 15 : i32
    %get3A_264 = arith.index_cast %get3A_263 : i32 to index
    %get3A_265 = arith.constant 16 : index
    %get3A_266 = tpu.vector_load %arg7[%get3A_264, %get3A_265] {strides = array<i32>} : memref<16x128xi32, #tpu.memory_space<vmem>>, vector<16xi32>,
    %mul3A_267 = arith.constant 1 : i32
    %mul3A_268 = vector.broadcast %mul3A_267 : i32 to vector<16xi32>
    %mul3A_269 = arith.muli %get3A_266, %mul3A_268 : vector<16xi32>
    %add3A_270 = arith.addi %add3A_262, %mul3A_269 : vector<16xi32>
    %ge3A_271 = arith.constant 85536 : i32
    %ge3A_272 = vector.broadcast %ge3A_271 : i32 to vector<16xi32>
    %ge3A_273 = arith.cmpi sge, %add3A_270, %ge3A_272 : vector<16xi32>
    %sub3A_274 = arith.constant 85536 : i32
    %sub3A_275 = vector.broadcast %sub3A_274 : i32 to vector<16xi32>
    %sub3A_276 = arith.subi %add3A_270, %sub3A_275 : vector<16xi32>
    %select_n3A_277 = arith.select %ge3A_273, %sub3A_276, %add3A_270 : vector<16xi1>, vector<16xi32>
    %scan3A_278 = arith.constant 0 : i32
    %scan3A_279 = arith.constant 0 : i32
    %scan3A_280 = arith.constant 16 : i32
    %scan3A_281 = arith.addi %scan3A_279, %scan3A_280 : i32
    %scan3A_282 = arith.constant 1 : i32
    scf.for %scan3A_1147 = %scan3A_279 to %scan3A_281 step %scan3A_282  : i32 {
      %eq3A = vector.broadcast %scan3A_1147 : i32 to vector<16xi32>
      %eq3A_1148 = arith.cmpi eq, %iota3A, %eq3A : vector<16xi32>
      %jit3A = arith.constant 0 : i32
      %broadcast_in_dim3A = vector.broadcast %jit3A : i32 to vector<16xi32>
      %select_n3A_1149 = arith.select %eq3A_1148, %select_n3A_277, %broadcast_in_dim3A : vector<16xi1>, vector<16xi32>
      %reduce_max3A = arith.constant true
      %reduce_max3A_1150 = vector.broadcast %reduce_max3A : i1 to vector<16xi1>
      %reduce_max3A_1151 = arith.constant -2147483648 : i32
      %reduce_max3A_1152 = vector.broadcast %reduce_max3A_1151 : i32 to vector<16xi32>
      %reduce_max3A_1153 = arith.xori %select_n3A_1149, %reduce_max3A_1152 : vector<16xi32>
      %reduce_max3A_1154 = tpu.scan <max>, %reduce_max3A_1153 masked %reduce_max3A_1150 : vector<16xi32>, vector<16xi1> -> vector<16xi32>
      %reduce_max3A_1155 = arith.xori %reduce_max3A_1154, %reduce_max3A_1152 : vector<16xi32>
      %reduce_max3A_1156 = vector.extract %reduce_max3A_1155[15] : i32 from vector<16xi32>
      %add3A_1157 = arith.constant 16 : i32
      %add3A_1158 = arith.addi %add3A_1157, %scan3A_1147 : i32
      %dma_start3A = arith.constant 0 : i32
      %dma_start3A_1159 = tpu.memref_slice %arg8[%add3A_1158, %dma_start3A] : memref<128x64xf32, #tpu.memory_space<vmem>> -> memref<1x64xf32, #tpu.memory_space<vmem>>
      %dma_start3A_1160 = tpu.memref_squeeze %dma_start3A_1159 : memref<1x64xf32, #tpu.memory_space<vmem>> -> memref<64xf32, #tpu.memory_space<vmem>>
      %dma_start3A_1161 = arith.constant 0 : i32
      %dma_start3A_1162 = tpu.memref_slice %arg4[%reduce_max3A_1156, %dma_start3A_1161] : memref<85536x64xf32, #tpu.memory_space<hbm>> -> memref<1x64xf32, #tpu.memory_space<hbm>>
      %dma_start3A_1163 = tpu.memref_squeeze %dma_start3A_1162 : memref<1x64xf32, #tpu.memory_space<hbm>> -> memref<64xf32, #tpu.memory_space<hbm>>
      %dma_start3A_1164 = arith.constant 0 : i32
      %dma_start3A_1165 = tpu.memref_slice %arg8[%add3A_1158, %dma_start3A_1164] : memref<128x64xf32, #tpu.memory_space<vmem>> -> memref<1x64xf32, #tpu.memory_space<vmem>>
      %dma_start3A_1166 = tpu.memref_squeeze %dma_start3A_1165 : memref<1x64xf32, #tpu.memory_space<vmem>> -> memref<64xf32, #tpu.memory_space<vmem>>
      %dma_start3A_1167 = arith.constant 0 : i32
      %dma_start3A_1168 = tpu.memref_slice %arg4[%reduce_max3A_1156, %dma_start3A_1167] : memref<85536x64xf32, #tpu.memory_space<hbm>> -> memref<1x64xf32, #tpu.memory_space<hbm>>
      %dma_start3A_1169 = tpu.memref_squeeze %dma_start3A_1168 : memref<1x64xf32, #tpu.memory_space<hbm>> -> memref<64xf32, #tpu.memory_space<hbm>>
      tpu.enqueue_dma source(%dma_start3A_1169 : memref<64xf32, #tpu.memory_space<hbm>>) target(%dma_start3A_1166 : memref<64xf32, #tpu.memory_space<vmem>>) target_semaphore(%arg9 : memref<!tpu.dma_semaphore, #tpu.memory_space<semaphore_mem>>)
    }
    %scan3A_283 = arith.constant 16 : i32
    %get3A_284 = arith.constant 32 : index
    %get3A_285 = tpu.vector_load %arg6[%get3A_284] {strides = array<i32>} : memref<128xi32, #tpu.memory_space<vmem>>, vector<16xi32>,
    %get3A_286 = arith.constant 0 : i32
    %get3A_287 = arith.index_cast %get3A_286 : i32 to index
    %get3A_288 = arith.constant 32 : index
    %get3A_289 = tpu.vector_load %arg7[%get3A_287, %get3A_288] {strides = array<i32>} : memref<16x128xi32, #tpu.memory_space<vmem>>, vector<16xi32>,
    %mul3A_290 = arith.constant 32768 : i32
    %mul3A_291 = vector.broadcast %mul3A_290 : i32 to vector<16xi32>
    %mul3A_292 = arith.muli %get3A_289, %mul3A_291 : vector<16xi32>
    %add3A_293 = arith.addi %get3A_285, %mul3A_292 : vector<16xi32>
    %get3A_294 = arith.constant 1 : i32
    %get3A_295 = arith.index_cast %get3A_294 : i32 to index
    %get3A_296 = arith.constant 32 : index
    %get3A_297 = tpu.vector_load %arg7[%get3A_295, %get3A_296] {strides = array<i32>} : memref<16x128xi32, #tpu.memory_space<vmem>>, vector<16xi32>,
    %mul3A_298 = arith.constant 16384 : i32
    %mul3A_299 = vector.broadcast %mul3A_298 : i32 to vector<16xi32>
    %mul3A_300 = arith.muli %get3A_297, %mul3A_299 : vector<16xi32>
    %add3A_301 = arith.addi %add3A_293, %mul3A_300 : vector<16xi32>
    %get3A_302 = arith.constant 2 : i32
    %get3A_303 = arith.index_cast %get3A_302 : i32 to index
    %get3A_304 = arith.constant 32 : index
    %get3A_305 = tpu.vector_load %arg7[%get3A_303, %get3A_304] {strides = array<i32>} : memref<16x128xi32, #tpu.memory_space<vmem>>, vector<16xi32>,
    %mul3A_306 = arith.constant 8192 : i32
    %mul3A_307 = vector.broadcast %mul3A_306 : i32 to vector<16xi32>
    %mul3A_308 = arith.muli %get3A_305, %mul3A_307 : vector<16xi32>
    %add3A_309 = arith.addi %add3A_301, %mul3A_308 : vector<16xi32>
    %get3A_310 = arith.constant 3 : i32
    %get3A_311 = arith.index_cast %get3A_310 : i32 to index
    %get3A_312 = arith.constant 32 : index
    %get3A_313 = tpu.vector_load %arg7[%get3A_311, %get3A_312] {strides = array<i32>} : memref<16x128xi32, #tpu.memory_space<vmem>>, vector<16xi32>,
    %mul3A_314 = arith.constant 4096 : i32
    %mul3A_315 = vector.broadcast %mul3A_314 : i32 to vector<16xi32>
    %mul3A_316 = arith.muli %get3A_313, %mul3A_315 : vector<16xi32>
    %add3A_317 = arith.addi %add3A_309, %mul3A_316 : vector<16xi32>
    %get3A_318 = arith.constant 4 : i32
    %get3A_319 = arith.index_cast %get3A_318 : i32 to index
    %get3A_320 = arith.constant 32 : index
    %get3A_321 = tpu.vector_load %arg7[%get3A_319, %get3A_320] {strides = array<i32>} : memref<16x128xi32, #tpu.memory_space<vmem>>, vector<16xi32>,
    %mul3A_322 = arith.constant 2048 : i32
    %mul3A_323 = vector.broadcast %mul3A_322 : i32 to vector<16xi32>
    %mul3A_324 = arith.muli %get3A_321, %mul3A_323 : vector<16xi32>
    %add3A_325 = arith.addi %add3A_317, %mul3A_324 : vector<16xi32>
    %get3A_326 = arith.constant 5 : i32
    %get3A_327 = arith.index_cast %get3A_326 : i32 to index
    %get3A_328 = arith.constant 32 : index
    %get3A_329 = tpu.vector_load %arg7[%get3A_327, %get3A_328] {strides = array<i32>} : memref<16x128xi32, #tpu.memory_space<vmem>>, vector<16xi32>,
    %mul3A_330 = arith.constant 1024 : i32
    %mul3A_331 = vector.broadcast %mul3A_330 : i32 to vector<16xi32>
    %mul3A_332 = arith.muli %get3A_329, %mul3A_331 : vector<16xi32>
    %add3A_333 = arith.addi %add3A_325, %mul3A_332 : vector<16xi32>
    %get3A_334 = arith.constant 6 : i32
    %get3A_335 = arith.index_cast %get3A_334 : i32 to index
    %get3A_336 = arith.constant 32 : index
    %get3A_337 = tpu.vector_load %arg7[%get3A_335, %get3A_336] {strides = array<i32>} : memref<16x128xi32, #tpu.memory_space<vmem>>, vector<16xi32>,
    %mul3A_338 = arith.constant 512 : i32
    %mul3A_339 = vector.broadcast %mul3A_338 : i32 to vector<16xi32>
    %mul3A_340 = arith.muli %get3A_337, %mul3A_339 : vector<16xi32>
    %add3A_341 = arith.addi %add3A_333, %mul3A_340 : vector<16xi32>
    %get3A_342 = arith.constant 7 : i32
    %get3A_343 = arith.index_cast %get3A_342 : i32 to index
    %get3A_344 = arith.constant 32 : index
    %get3A_345 = tpu.vector_load %arg7[%get3A_343, %get3A_344] {strides = array<i32>} : memref<16x128xi32, #tpu.memory_space<vmem>>, vector<16xi32>,
    %mul3A_346 = arith.constant 256 : i32
    %mul3A_347 = vector.broadcast %mul3A_346 : i32 to vector<16xi32>
    %mul3A_348 = arith.muli %get3A_345, %mul3A_347 : vector<16xi32>
    %add3A_349 = arith.addi %add3A_341, %mul3A_348 : vector<16xi32>
    %get3A_350 = arith.constant 8 : i32
    %get3A_351 = arith.index_cast %get3A_350 : i32 to index
    %get3A_352 = arith.constant 32 : index
    %get3A_353 = tpu.vector_load %arg7[%get3A_351, %get3A_352] {strides = array<i32>} : memref<16x128xi32, #tpu.memory_space<vmem>>, vector<16xi32>,
    %mul3A_354 = arith.constant 128 : i32
    %mul3A_355 = vector.broadcast %mul3A_354 : i32 to vector<16xi32>
    %mul3A_356 = arith.muli %get3A_353, %mul3A_355 : vector<16xi32>
    %add3A_357 = arith.addi %add3A_349, %mul3A_356 : vector<16xi32>
    %get3A_358 = arith.constant 9 : i32
    %get3A_359 = arith.index_cast %get3A_358 : i32 to index
    %get3A_360 = arith.constant 32 : index
    %get3A_361 = tpu.vector_load %arg7[%get3A_359, %get3A_360] {strides = array<i32>} : memref<16x128xi32, #tpu.memory_space<vmem>>, vector<16xi32>,
    %mul3A_362 = arith.constant 64 : i32
    %mul3A_363 = vector.broadcast %mul3A_362 : i32 to vector<16xi32>
    %mul3A_364 = arith.muli %get3A_361, %mul3A_363 : vector<16xi32>
    %add3A_365 = arith.addi %add3A_357, %mul3A_364 : vector<16xi32>
    %get3A_366 = arith.constant 10 : i32
    %get3A_367 = arith.index_cast %get3A_366 : i32 to index
    %get3A_368 = arith.constant 32 : index
    %get3A_369 = tpu.vector_load %arg7[%get3A_367, %get3A_368] {strides = array<i32>} : memref<16x128xi32, #tpu.memory_space<vmem>>, vector<16xi32>,
    %mul3A_370 = arith.constant 32 : i32
    %mul3A_371 = vector.broadcast %mul3A_370 : i32 to vector<16xi32>
    %mul3A_372 = arith.muli %get3A_369, %mul3A_371 : vector<16xi32>
    %add3A_373 = arith.addi %add3A_365, %mul3A_372 : vector<16xi32>
    %get3A_374 = arith.constant 11 : i32
    %get3A_375 = arith.index_cast %get3A_374 : i32 to index
    %get3A_376 = arith.constant 32 : index
    %get3A_377 = tpu.vector_load %arg7[%get3A_375, %get3A_376] {strides = array<i32>} : memref<16x128xi32, #tpu.memory_space<vmem>>, vector<16xi32>,
    %mul3A_378 = arith.constant 16 : i32
    %mul3A_379 = vector.broadcast %mul3A_378 : i32 to vector<16xi32>
    %mul3A_380 = arith.muli %get3A_377, %mul3A_379 : vector<16xi32>
    %add3A_381 = arith.addi %add3A_373, %mul3A_380 : vector<16xi32>
    %get3A_382 = arith.constant 12 : i32
    %get3A_383 = arith.index_cast %get3A_382 : i32 to index
    %get3A_384 = arith.constant 32 : index
    %get3A_385 = tpu.vector_load %arg7[%get3A_383, %get3A_384] {strides = array<i32>} : memref<16x128xi32, #tpu.memory_space<vmem>>, vector<16xi32>,
    %mul3A_386 = arith.constant 8 : i32
    %mul3A_387 = vector.broadcast %mul3A_386 : i32 to vector<16xi32>
    %mul3A_388 = arith.muli %get3A_385, %mul3A_387 : vector<16xi32>
    %add3A_389 = arith.addi %add3A_381, %mul3A_388 : vector<16xi32>
    %get3A_390 = arith.constant 13 : i32
    %get3A_391 = arith.index_cast %get3A_390 : i32 to index
    %get3A_392 = arith.constant 32 : index
    %get3A_393 = tpu.vector_load %arg7[%get3A_391, %get3A_392] {strides = array<i32>} : memref<16x128xi32, #tpu.memory_space<vmem>>, vector<16xi32>,
    %mul3A_394 = arith.constant 4 : i32
    %mul3A_395 = vector.broadcast %mul3A_394 : i32 to vector<16xi32>
    %mul3A_396 = arith.muli %get3A_393, %mul3A_395 : vector<16xi32>
    %add3A_397 = arith.addi %add3A_389, %mul3A_396 : vector<16xi32>
    %get3A_398 = arith.constant 14 : i32
    %get3A_399 = arith.index_cast %get3A_398 : i32 to index
    %get3A_400 = arith.constant 32 : index
    %get3A_401 = tpu.vector_load %arg7[%get3A_399, %get3A_400] {strides = array<i32>} : memref<16x128xi32, #tpu.memory_space<vmem>>, vector<16xi32>,
    %mul3A_402 = arith.constant 2 : i32
    %mul3A_403 = vector.broadcast %mul3A_402 : i32 to vector<16xi32>
    %mul3A_404 = arith.muli %get3A_401, %mul3A_403 : vector<16xi32>
    %add3A_405 = arith.addi %add3A_397, %mul3A_404 : vector<16xi32>
    %get3A_406 = arith.constant 15 : i32
    %get3A_407 = arith.index_cast %get3A_406 : i32 to index
    %get3A_408 = arith.constant 32 : index
    %get3A_409 = tpu.vector_load %arg7[%get3A_407, %get3A_408] {strides = array<i32>} : memref<16x128xi32, #tpu.memory_space<vmem>>, vector<16xi32>,
    %mul3A_410 = arith.constant 1 : i32
    %mul3A_411 = vector.broadcast %mul3A_410 : i32 to vector<16xi32>
    %mul3A_412 = arith.muli %get3A_409, %mul3A_411 : vector<16xi32>
    %add3A_413 = arith.addi %add3A_405, %mul3A_412 : vector<16xi32>
    %ge3A_414 = arith.constant 85536 : i32
    %ge3A_415 = vector.broadcast %ge3A_414 : i32 to vector<16xi32>
    %ge3A_416 = arith.cmpi sge, %add3A_413, %ge3A_415 : vector<16xi32>
    %sub3A_417 = arith.constant 85536 : i32
    %sub3A_418 = vector.broadcast %sub3A_417 : i32 to vector<16xi32>
    %sub3A_419 = arith.subi %add3A_413, %sub3A_418 : vector<16xi32>
    %select_n3A_420 = arith.select %ge3A_416, %sub3A_419, %add3A_413 : vector<16xi1>, vector<16xi32>
    %scan3A_421 = arith.constant 0 : i32
    %scan3A_422 = arith.constant 0 : i32
    %scan3A_423 = arith.constant 16 : i32
    %scan3A_424 = arith.addi %scan3A_422, %scan3A_423 : i32
    %scan3A_425 = arith.constant 1 : i32
    scf.for %scan3A_1147 = %scan3A_422 to %scan3A_424 step %scan3A_425  : i32 {
      %eq3A = vector.broadcast %scan3A_1147 : i32 to vector<16xi32>
      %eq3A_1148 = arith.cmpi eq, %iota3A, %eq3A : vector<16xi32>
      %jit3A = arith.constant 0 : i32
      %broadcast_in_dim3A = vector.broadcast %jit3A : i32 to vector<16xi32>
      %select_n3A_1149 = arith.select %eq3A_1148, %select_n3A_420, %broadcast_in_dim3A : vector<16xi1>, vector<16xi32>
      %reduce_max3A = arith.constant true
      %reduce_max3A_1150 = vector.broadcast %reduce_max3A : i1 to vector<16xi1>
      %reduce_max3A_1151 = arith.constant -2147483648 : i32
      %reduce_max3A_1152 = vector.broadcast %reduce_max3A_1151 : i32 to vector<16xi32>
      %reduce_max3A_1153 = arith.xori %select_n3A_1149, %reduce_max3A_1152 : vector<16xi32>
      %reduce_max3A_1154 = tpu.scan <max>, %reduce_max3A_1153 masked %reduce_max3A_1150 : vector<16xi32>, vector<16xi1> -> vector<16xi32>
      %reduce_max3A_1155 = arith.xori %reduce_max3A_1154, %reduce_max3A_1152 : vector<16xi32>
      %reduce_max3A_1156 = vector.extract %reduce_max3A_1155[15] : i32 from vector<16xi32>
      %add3A_1157 = arith.constant 32 : i32
      %add3A_1158 = arith.addi %add3A_1157, %scan3A_1147 : i32
      %dma_start3A = arith.constant 0 : i32
      %dma_start3A_1159 = tpu.memref_slice %arg8[%add3A_1158, %dma_start3A] : memref<128x64xf32, #tpu.memory_space<vmem>> -> memref<1x64xf32, #tpu.memory_space<vmem>>
      %dma_start3A_1160 = tpu.memref_squeeze %dma_start3A_1159 : memref<1x64xf32, #tpu.memory_space<vmem>> -> memref<64xf32, #tpu.memory_space<vmem>>
      %dma_start3A_1161 = arith.constant 0 : i32
      %dma_start3A_1162 = tpu.memref_slice %arg4[%reduce_max3A_1156, %dma_start3A_1161] : memref<85536x64xf32, #tpu.memory_space<hbm>> -> memref<1x64xf32, #tpu.memory_space<hbm>>
      %dma_start3A_1163 = tpu.memref_squeeze %dma_start3A_1162 : memref<1x64xf32, #tpu.memory_space<hbm>> -> memref<64xf32, #tpu.memory_space<hbm>>
      %dma_start3A_1164 = arith.constant 0 : i32
      %dma_start3A_1165 = tpu.memref_slice %arg8[%add3A_1158, %dma_start3A_1164] : memref<128x64xf32, #tpu.memory_space<vmem>> -> memref<1x64xf32, #tpu.memory_space<vmem>>
      %dma_start3A_1166 = tpu.memref_squeeze %dma_start3A_1165 : memref<1x64xf32, #tpu.memory_space<vmem>> -> memref<64xf32, #tpu.memory_space<vmem>>
      %dma_start3A_1167 = arith.constant 0 : i32
      %dma_start3A_1168 = tpu.memref_slice %arg4[%reduce_max3A_1156, %dma_start3A_1167] : memref<85536x64xf32, #tpu.memory_space<hbm>> -> memref<1x64xf32, #tpu.memory_space<hbm>>
      %dma_start3A_1169 = tpu.memref_squeeze %dma_start3A_1168 : memref<1x64xf32, #tpu.memory_space<hbm>> -> memref<64xf32, #tpu.memory_space<hbm>>
      tpu.enqueue_dma source(%dma_start3A_1169 : memref<64xf32, #tpu.memory_space<hbm>>) target(%dma_start3A_1166 : memref<64xf32, #tpu.memory_space<vmem>>) target_semaphore(%arg9 : memref<!tpu.dma_semaphore, #tpu.memory_space<semaphore_mem>>)
    }
    %scan3A_426 = arith.constant 16 : i32
    %get3A_427 = arith.constant 48 : index
    %get3A_428 = tpu.vector_load %arg6[%get3A_427] {strides = array<i32>} : memref<128xi32, #tpu.memory_space<vmem>>, vector<16xi32>,
    %get3A_429 = arith.constant 0 : i32
    %get3A_430 = arith.index_cast %get3A_429 : i32 to index
    %get3A_431 = arith.constant 48 : index
    %get3A_432 = tpu.vector_load %arg7[%get3A_430, %get3A_431] {strides = array<i32>} : memref<16x128xi32, #tpu.memory_space<vmem>>, vector<16xi32>,
    %mul3A_433 = arith.constant 32768 : i32
    %mul3A_434 = vector.broadcast %mul3A_433 : i32 to vector<16xi32>
    %mul3A_435 = arith.muli %get3A_432, %mul3A_434 : vector<16xi32>
    %add3A_436 = arith.addi %get3A_428, %mul3A_435 : vector<16xi32>
    %get3A_437 = arith.constant 1 : i32
    %get3A_438 = arith.index_cast %get3A_437 : i32 to index
    %get3A_439 = arith.constant 48 : index
    %get3A_440 = tpu.vector_load %arg7[%get3A_438, %get3A_439] {strides = array<i32>} : memref<16x128xi32, #tpu.memory_space<vmem>>, vector<16xi32>,
    %mul3A_441 = arith.constant 16384 : i32
    %mul3A_442 = vector.broadcast %mul3A_441 : i32 to vector<16xi32>
    %mul3A_443 = arith.muli %get3A_440, %mul3A_442 : vector<16xi32>
    %add3A_444 = arith.addi %add3A_436, %mul3A_443 : vector<16xi32>
    %get3A_445 = arith.constant 2 : i32
    %get3A_446 = arith.index_cast %get3A_445 : i32 to index
    %get3A_447 = arith.constant 48 : index
    %get3A_448 = tpu.vector_load %arg7[%get3A_446, %get3A_447] {strides = array<i32>} : memref<16x128xi32, #tpu.memory_space<vmem>>, vector<16xi32>,
    %mul3A_449 = arith.constant 8192 : i32
    %mul3A_450 = vector.broadcast %mul3A_449 : i32 to vector<16xi32>
    %mul3A_451 = arith.muli %get3A_448, %mul3A_450 : vector<16xi32>
    %add3A_452 = arith.addi %add3A_444, %mul3A_451 : vector<16xi32>
    %get3A_453 = arith.constant 3 : i32
    %get3A_454 = arith.index_cast %get3A_453 : i32 to index
    %get3A_455 = arith.constant 48 : index
    %get3A_456 = tpu.vector_load %arg7[%get3A_454, %get3A_455] {strides = array<i32>} : memref<16x128xi32, #tpu.memory_space<vmem>>, vector<16xi32>,
    %mul3A_457 = arith.constant 4096 : i32
    %mul3A_458 = vector.broadcast %mul3A_457 : i32 to vector<16xi32>
    %mul3A_459 = arith.muli %get3A_456, %mul3A_458 : vector<16xi32>
    %add3A_460 = arith.addi %add3A_452, %mul3A_459 : vector<16xi32>
    %get3A_461 = arith.constant 4 : i32
    %get3A_462 = arith.index_cast %get3A_461 : i32 to index
    %get3A_463 = arith.constant 48 : index
    %get3A_464 = tpu.vector_load %arg7[%get3A_462, %get3A_463] {strides = array<i32>} : memref<16x128xi32, #tpu.memory_space<vmem>>, vector<16xi32>,
    %mul3A_465 = arith.constant 2048 : i32
    %mul3A_466 = vector.broadcast %mul3A_465 : i32 to vector<16xi32>
    %mul3A_467 = arith.muli %get3A_464, %mul3A_466 : vector<16xi32>
    %add3A_468 = arith.addi %add3A_460, %mul3A_467 : vector<16xi32>
    %get3A_469 = arith.constant 5 : i32
    %get3A_470 = arith.index_cast %get3A_469 : i32 to index
    %get3A_471 = arith.constant 48 : index
    %get3A_472 = tpu.vector_load %arg7[%get3A_470, %get3A_471] {strides = array<i32>} : memref<16x128xi32, #tpu.memory_space<vmem>>, vector<16xi32>,
    %mul3A_473 = arith.constant 1024 : i32
    %mul3A_474 = vector.broadcast %mul3A_473 : i32 to vector<16xi32>
    %mul3A_475 = arith.muli %get3A_472, %mul3A_474 : vector<16xi32>
    %add3A_476 = arith.addi %add3A_468, %mul3A_475 : vector<16xi32>
    %get3A_477 = arith.constant 6 : i32
    %get3A_478 = arith.index_cast %get3A_477 : i32 to index
    %get3A_479 = arith.constant 48 : index
    %get3A_480 = tpu.vector_load %arg7[%get3A_478, %get3A_479] {strides = array<i32>} : memref<16x128xi32, #tpu.memory_space<vmem>>, vector<16xi32>,
    %mul3A_481 = arith.constant 512 : i32
    %mul3A_482 = vector.broadcast %mul3A_481 : i32 to vector<16xi32>
    %mul3A_483 = arith.muli %get3A_480, %mul3A_482 : vector<16xi32>
    %add3A_484 = arith.addi %add3A_476, %mul3A_483 : vector<16xi32>
    %get3A_485 = arith.constant 7 : i32
    %get3A_486 = arith.index_cast %get3A_485 : i32 to index
    %get3A_487 = arith.constant 48 : index
    %get3A_488 = tpu.vector_load %arg7[%get3A_486, %get3A_487] {strides = array<i32>} : memref<16x128xi32, #tpu.memory_space<vmem>>, vector<16xi32>,
    %mul3A_489 = arith.constant 256 : i32
    %mul3A_490 = vector.broadcast %mul3A_489 : i32 to vector<16xi32>
    %mul3A_491 = arith.muli %get3A_488, %mul3A_490 : vector<16xi32>
    %add3A_492 = arith.addi %add3A_484, %mul3A_491 : vector<16xi32>
    %get3A_493 = arith.constant 8 : i32
    %get3A_494 = arith.index_cast %get3A_493 : i32 to index
    %get3A_495 = arith.constant 48 : index
    %get3A_496 = tpu.vector_load %arg7[%get3A_494, %get3A_495] {strides = array<i32>} : memref<16x128xi32, #tpu.memory_space<vmem>>, vector<16xi32>,
    %mul3A_497 = arith.constant 128 : i32
    %mul3A_498 = vector.broadcast %mul3A_497 : i32 to vector<16xi32>
    %mul3A_499 = arith.muli %get3A_496, %mul3A_498 : vector<16xi32>
    %add3A_500 = arith.addi %add3A_492, %mul3A_499 : vector<16xi32>
    %get3A_501 = arith.constant 9 : i32
    %get3A_502 = arith.index_cast %get3A_501 : i32 to index
    %get3A_503 = arith.constant 48 : index
    %get3A_504 = tpu.vector_load %arg7[%get3A_502, %get3A_503] {strides = array<i32>} : memref<16x128xi32, #tpu.memory_space<vmem>>, vector<16xi32>,
    %mul3A_505 = arith.constant 64 : i32
    %mul3A_506 = vector.broadcast %mul3A_505 : i32 to vector<16xi32>
    %mul3A_507 = arith.muli %get3A_504, %mul3A_506 : vector<16xi32>
    %add3A_508 = arith.addi %add3A_500, %mul3A_507 : vector<16xi32>
    %get3A_509 = arith.constant 10 : i32
    %get3A_510 = arith.index_cast %get3A_509 : i32 to index
    %get3A_511 = arith.constant 48 : index
    %get3A_512 = tpu.vector_load %arg7[%get3A_510, %get3A_511] {strides = array<i32>} : memref<16x128xi32, #tpu.memory_space<vmem>>, vector<16xi32>,
    %mul3A_513 = arith.constant 32 : i32
    %mul3A_514 = vector.broadcast %mul3A_513 : i32 to vector<16xi32>
    %mul3A_515 = arith.muli %get3A_512, %mul3A_514 : vector<16xi32>
    %add3A_516 = arith.addi %add3A_508, %mul3A_515 : vector<16xi32>
    %get3A_517 = arith.constant 11 : i32
    %get3A_518 = arith.index_cast %get3A_517 : i32 to index
    %get3A_519 = arith.constant 48 : index
    %get3A_520 = tpu.vector_load %arg7[%get3A_518, %get3A_519] {strides = array<i32>} : memref<16x128xi32, #tpu.memory_space<vmem>>, vector<16xi32>,
    %mul3A_521 = arith.constant 16 : i32
    %mul3A_522 = vector.broadcast %mul3A_521 : i32 to vector<16xi32>
    %mul3A_523 = arith.muli %get3A_520, %mul3A_522 : vector<16xi32>
    %add3A_524 = arith.addi %add3A_516, %mul3A_523 : vector<16xi32>
    %get3A_525 = arith.constant 12 : i32
    %get3A_526 = arith.index_cast %get3A_525 : i32 to index
    %get3A_527 = arith.constant 48 : index
    %get3A_528 = tpu.vector_load %arg7[%get3A_526, %get3A_527] {strides = array<i32>} : memref<16x128xi32, #tpu.memory_space<vmem>>, vector<16xi32>,
    %mul3A_529 = arith.constant 8 : i32
    %mul3A_530 = vector.broadcast %mul3A_529 : i32 to vector<16xi32>
    %mul3A_531 = arith.muli %get3A_528, %mul3A_530 : vector<16xi32>
    %add3A_532 = arith.addi %add3A_524, %mul3A_531 : vector<16xi32>
    %get3A_533 = arith.constant 13 : i32
    %get3A_534 = arith.index_cast %get3A_533 : i32 to index
    %get3A_535 = arith.constant 48 : index
    %get3A_536 = tpu.vector_load %arg7[%get3A_534, %get3A_535] {strides = array<i32>} : memref<16x128xi32, #tpu.memory_space<vmem>>, vector<16xi32>,
    %mul3A_537 = arith.constant 4 : i32
    %mul3A_538 = vector.broadcast %mul3A_537 : i32 to vector<16xi32>
    %mul3A_539 = arith.muli %get3A_536, %mul3A_538 : vector<16xi32>
    %add3A_540 = arith.addi %add3A_532, %mul3A_539 : vector<16xi32>
    %get3A_541 = arith.constant 14 : i32
    %get3A_542 = arith.index_cast %get3A_541 : i32 to index
    %get3A_543 = arith.constant 48 : index
    %get3A_544 = tpu.vector_load %arg7[%get3A_542, %get3A_543] {strides = array<i32>} : memref<16x128xi32, #tpu.memory_space<vmem>>, vector<16xi32>,
    %mul3A_545 = arith.constant 2 : i32
    %mul3A_546 = vector.broadcast %mul3A_545 : i32 to vector<16xi32>
    %mul3A_547 = arith.muli %get3A_544, %mul3A_546 : vector<16xi32>
    %add3A_548 = arith.addi %add3A_540, %mul3A_547 : vector<16xi32>
    %get3A_549 = arith.constant 15 : i32
    %get3A_550 = arith.index_cast %get3A_549 : i32 to index
    %get3A_551 = arith.constant 48 : index
    %get3A_552 = tpu.vector_load %arg7[%get3A_550, %get3A_551] {strides = array<i32>} : memref<16x128xi32, #tpu.memory_space<vmem>>, vector<16xi32>,
    %mul3A_553 = arith.constant 1 : i32
    %mul3A_554 = vector.broadcast %mul3A_553 : i32 to vector<16xi32>
    %mul3A_555 = arith.muli %get3A_552, %mul3A_554 : vector<16xi32>
    %add3A_556 = arith.addi %add3A_548, %mul3A_555 : vector<16xi32>
    %ge3A_557 = arith.constant 85536 : i32
    %ge3A_558 = vector.broadcast %ge3A_557 : i32 to vector<16xi32>
    %ge3A_559 = arith.cmpi sge, %add3A_556, %ge3A_558 : vector<16xi32>
    %sub3A_560 = arith.constant 85536 : i32
    %sub3A_561 = vector.broadcast %sub3A_560 : i32 to vector<16xi32>
    %sub3A_562 = arith.subi %add3A_556, %sub3A_561 : vector<16xi32>
    %select_n3A_563 = arith.select %ge3A_559, %sub3A_562, %add3A_556 : vector<16xi1>, vector<16xi32>
    %scan3A_564 = arith.constant 0 : i32
    %scan3A_565 = arith.constant 0 : i32
    %scan3A_566 = arith.constant 16 : i32
    %scan3A_567 = arith.addi %scan3A_565, %scan3A_566 : i32
    %scan3A_568 = arith.constant 1 : i32
    scf.for %scan3A_1147 = %scan3A_565 to %scan3A_567 step %scan3A_568  : i32 {
      %eq3A = vector.broadcast %scan3A_1147 : i32 to vector<16xi32>
      %eq3A_1148 = arith.cmpi eq, %iota3A, %eq3A : vector<16xi32>
      %jit3A = arith.constant 0 : i32
      %broadcast_in_dim3A = vector.broadcast %jit3A : i32 to vector<16xi32>
      %select_n3A_1149 = arith.select %eq3A_1148, %select_n3A_563, %broadcast_in_dim3A : vector<16xi1>, vector<16xi32>
      %reduce_max3A = arith.constant true
      %reduce_max3A_1150 = vector.broadcast %reduce_max3A : i1 to vector<16xi1>
      %reduce_max3A_1151 = arith.constant -2147483648 : i32
      %reduce_max3A_1152 = vector.broadcast %reduce_max3A_1151 : i32 to vector<16xi32>
      %reduce_max3A_1153 = arith.xori %select_n3A_1149, %reduce_max3A_1152 : vector<16xi32>
      %reduce_max3A_1154 = tpu.scan <max>, %reduce_max3A_1153 masked %reduce_max3A_1150 : vector<16xi32>, vector<16xi1> -> vector<16xi32>
      %reduce_max3A_1155 = arith.xori %reduce_max3A_1154, %reduce_max3A_1152 : vector<16xi32>
      %reduce_max3A_1156 = vector.extract %reduce_max3A_1155[15] : i32 from vector<16xi32>
      %add3A_1157 = arith.constant 48 : i32
      %add3A_1158 = arith.addi %add3A_1157, %scan3A_1147 : i32
      %dma_start3A = arith.constant 0 : i32
      %dma_start3A_1159 = tpu.memref_slice %arg8[%add3A_1158, %dma_start3A] : memref<128x64xf32, #tpu.memory_space<vmem>> -> memref<1x64xf32, #tpu.memory_space<vmem>>
      %dma_start3A_1160 = tpu.memref_squeeze %dma_start3A_1159 : memref<1x64xf32, #tpu.memory_space<vmem>> -> memref<64xf32, #tpu.memory_space<vmem>>
      %dma_start3A_1161 = arith.constant 0 : i32
      %dma_start3A_1162 = tpu.memref_slice %arg4[%reduce_max3A_1156, %dma_start3A_1161] : memref<85536x64xf32, #tpu.memory_space<hbm>> -> memref<1x64xf32, #tpu.memory_space<hbm>>
      %dma_start3A_1163 = tpu.memref_squeeze %dma_start3A_1162 : memref<1x64xf32, #tpu.memory_space<hbm>> -> memref<64xf32, #tpu.memory_space<hbm>>
      %dma_start3A_1164 = arith.constant 0 : i32
      %dma_start3A_1165 = tpu.memref_slice %arg8[%add3A_1158, %dma_start3A_1164] : memref<128x64xf32, #tpu.memory_space<vmem>> -> memref<1x64xf32, #tpu.memory_space<vmem>>
      %dma_start3A_1166 = tpu.memref_squeeze %dma_start3A_1165 : memref<1x64xf32, #tpu.memory_space<vmem>> -> memref<64xf32, #tpu.memory_space<vmem>>
      %dma_start3A_1167 = arith.constant 0 : i32
      %dma_start3A_1168 = tpu.memref_slice %arg4[%reduce_max3A_1156, %dma_start3A_1167] : memref<85536x64xf32, #tpu.memory_space<hbm>> -> memref<1x64xf32, #tpu.memory_space<hbm>>
      %dma_start3A_1169 = tpu.memref_squeeze %dma_start3A_1168 : memref<1x64xf32, #tpu.memory_space<hbm>> -> memref<64xf32, #tpu.memory_space<hbm>>
      tpu.enqueue_dma source(%dma_start3A_1169 : memref<64xf32, #tpu.memory_space<hbm>>) target(%dma_start3A_1166 : memref<64xf32, #tpu.memory_space<vmem>>) target_semaphore(%arg9 : memref<!tpu.dma_semaphore, #tpu.memory_space<semaphore_mem>>)
    }
    %scan3A_569 = arith.constant 16 : i32
    %get3A_570 = arith.constant 64 : index
    %get3A_571 = tpu.vector_load %arg6[%get3A_570] {strides = array<i32>} : memref<128xi32, #tpu.memory_space<vmem>>, vector<16xi32>,
    %get3A_572 = arith.constant 0 : i32
    %get3A_573 = arith.index_cast %get3A_572 : i32 to index
    %get3A_574 = arith.constant 64 : index
    %get3A_575 = tpu.vector_load %arg7[%get3A_573, %get3A_574] {strides = array<i32>} : memref<16x128xi32, #tpu.memory_space<vmem>>, vector<16xi32>,
    %mul3A_576 = arith.constant 32768 : i32
    %mul3A_577 = vector.broadcast %mul3A_576 : i32 to vector<16xi32>
    %mul3A_578 = arith.muli %get3A_575, %mul3A_577 : vector<16xi32>
    %add3A_579 = arith.addi %get3A_571, %mul3A_578 : vector<16xi32>
    %get3A_580 = arith.constant 1 : i32
    %get3A_581 = arith.index_cast %get3A_580 : i32 to index
    %get3A_582 = arith.constant 64 : index
    %get3A_583 = tpu.vector_load %arg7[%get3A_581, %get3A_582] {strides = array<i32>} : memref<16x128xi32, #tpu.memory_space<vmem>>, vector<16xi32>,
    %mul3A_584 = arith.constant 16384 : i32
    %mul3A_585 = vector.broadcast %mul3A_584 : i32 to vector<16xi32>
    %mul3A_586 = arith.muli %get3A_583, %mul3A_585 : vector<16xi32>
    %add3A_587 = arith.addi %add3A_579, %mul3A_586 : vector<16xi32>
    %get3A_588 = arith.constant 2 : i32
    %get3A_589 = arith.index_cast %get3A_588 : i32 to index
    %get3A_590 = arith.constant 64 : index
    %get3A_591 = tpu.vector_load %arg7[%get3A_589, %get3A_590] {strides = array<i32>} : memref<16x128xi32, #tpu.memory_space<vmem>>, vector<16xi32>,
    %mul3A_592 = arith.constant 8192 : i32
    %mul3A_593 = vector.broadcast %mul3A_592 : i32 to vector<16xi32>
    %mul3A_594 = arith.muli %get3A_591, %mul3A_593 : vector<16xi32>
    %add3A_595 = arith.addi %add3A_587, %mul3A_594 : vector<16xi32>
    %get3A_596 = arith.constant 3 : i32
    %get3A_597 = arith.index_cast %get3A_596 : i32 to index
    %get3A_598 = arith.constant 64 : index
    %get3A_599 = tpu.vector_load %arg7[%get3A_597, %get3A_598] {strides = array<i32>} : memref<16x128xi32, #tpu.memory_space<vmem>>, vector<16xi32>,
    %mul3A_600 = arith.constant 4096 : i32
    %mul3A_601 = vector.broadcast %mul3A_600 : i32 to vector<16xi32>
    %mul3A_602 = arith.muli %get3A_599, %mul3A_601 : vector<16xi32>
    %add3A_603 = arith.addi %add3A_595, %mul3A_602 : vector<16xi32>
    %get3A_604 = arith.constant 4 : i32
    %get3A_605 = arith.index_cast %get3A_604 : i32 to index
    %get3A_606 = arith.constant 64 : index
    %get3A_607 = tpu.vector_load %arg7[%get3A_605, %get3A_606] {strides = array<i32>} : memref<16x128xi32, #tpu.memory_space<vmem>>, vector<16xi32>,
    %mul3A_608 = arith.constant 2048 : i32
    %mul3A_609 = vector.broadcast %mul3A_608 : i32 to vector<16xi32>
    %mul3A_610 = arith.muli %get3A_607, %mul3A_609 : vector<16xi32>
    %add3A_611 = arith.addi %add3A_603, %mul3A_610 : vector<16xi32>
    %get3A_612 = arith.constant 5 : i32
    %get3A_613 = arith.index_cast %get3A_612 : i32 to index
    %get3A_614 = arith.constant 64 : index
    %get3A_615 = tpu.vector_load %arg7[%get3A_613, %get3A_614] {strides = array<i32>} : memref<16x128xi32, #tpu.memory_space<vmem>>, vector<16xi32>,
    %mul3A_616 = arith.constant 1024 : i32
    %mul3A_617 = vector.broadcast %mul3A_616 : i32 to vector<16xi32>
    %mul3A_618 = arith.muli %get3A_615, %mul3A_617 : vector<16xi32>
    %add3A_619 = arith.addi %add3A_611, %mul3A_618 : vector<16xi32>
    %get3A_620 = arith.constant 6 : i32
    %get3A_621 = arith.index_cast %get3A_620 : i32 to index
    %get3A_622 = arith.constant 64 : index
    %get3A_623 = tpu.vector_load %arg7[%get3A_621, %get3A_622] {strides = array<i32>} : memref<16x128xi32, #tpu.memory_space<vmem>>, vector<16xi32>,
    %mul3A_624 = arith.constant 512 : i32
    %mul3A_625 = vector.broadcast %mul3A_624 : i32 to vector<16xi32>
    %mul3A_626 = arith.muli %get3A_623, %mul3A_625 : vector<16xi32>
    %add3A_627 = arith.addi %add3A_619, %mul3A_626 : vector<16xi32>
    %get3A_628 = arith.constant 7 : i32
    %get3A_629 = arith.index_cast %get3A_628 : i32 to index
    %get3A_630 = arith.constant 64 : index
    %get3A_631 = tpu.vector_load %arg7[%get3A_629, %get3A_630] {strides = array<i32>} : memref<16x128xi32, #tpu.memory_space<vmem>>, vector<16xi32>,
    %mul3A_632 = arith.constant 256 : i32
    %mul3A_633 = vector.broadcast %mul3A_632 : i32 to vector<16xi32>
    %mul3A_634 = arith.muli %get3A_631, %mul3A_633 : vector<16xi32>
    %add3A_635 = arith.addi %add3A_627, %mul3A_634 : vector<16xi32>
    %get3A_636 = arith.constant 8 : i32
    %get3A_637 = arith.index_cast %get3A_636 : i32 to index
    %get3A_638 = arith.constant 64 : index
    %get3A_639 = tpu.vector_load %arg7[%get3A_637, %get3A_638] {strides = array<i32>} : memref<16x128xi32, #tpu.memory_space<vmem>>, vector<16xi32>,
    %mul3A_640 = arith.constant 128 : i32
    %mul3A_641 = vector.broadcast %mul3A_640 : i32 to vector<16xi32>
    %mul3A_642 = arith.muli %get3A_639, %mul3A_641 : vector<16xi32>
    %add3A_643 = arith.addi %add3A_635, %mul3A_642 : vector<16xi32>
    %get3A_644 = arith.constant 9 : i32
    %get3A_645 = arith.index_cast %get3A_644 : i32 to index
    %get3A_646 = arith.constant 64 : index
    %get3A_647 = tpu.vector_load %arg7[%get3A_645, %get3A_646] {strides = array<i32>} : memref<16x128xi32, #tpu.memory_space<vmem>>, vector<16xi32>,
    %mul3A_648 = arith.constant 64 : i32
    %mul3A_649 = vector.broadcast %mul3A_648 : i32 to vector<16xi32>
    %mul3A_650 = arith.muli %get3A_647, %mul3A_649 : vector<16xi32>
    %add3A_651 = arith.addi %add3A_643, %mul3A_650 : vector<16xi32>
    %get3A_652 = arith.constant 10 : i32
    %get3A_653 = arith.index_cast %get3A_652 : i32 to index
    %get3A_654 = arith.constant 64 : index
    %get3A_655 = tpu.vector_load %arg7[%get3A_653, %get3A_654] {strides = array<i32>} : memref<16x128xi32, #tpu.memory_space<vmem>>, vector<16xi32>,
    %mul3A_656 = arith.constant 32 : i32
    %mul3A_657 = vector.broadcast %mul3A_656 : i32 to vector<16xi32>
    %mul3A_658 = arith.muli %get3A_655, %mul3A_657 : vector<16xi32>
    %add3A_659 = arith.addi %add3A_651, %mul3A_658 : vector<16xi32>
    %get3A_660 = arith.constant 11 : i32
    %get3A_661 = arith.index_cast %get3A_660 : i32 to index
    %get3A_662 = arith.constant 64 : index
    %get3A_663 = tpu.vector_load %arg7[%get3A_661, %get3A_662] {strides = array<i32>} : memref<16x128xi32, #tpu.memory_space<vmem>>, vector<16xi32>,
    %mul3A_664 = arith.constant 16 : i32
    %mul3A_665 = vector.broadcast %mul3A_664 : i32 to vector<16xi32>
    %mul3A_666 = arith.muli %get3A_663, %mul3A_665 : vector<16xi32>
    %add3A_667 = arith.addi %add3A_659, %mul3A_666 : vector<16xi32>
    %get3A_668 = arith.constant 12 : i32
    %get3A_669 = arith.index_cast %get3A_668 : i32 to index
    %get3A_670 = arith.constant 64 : index
    %get3A_671 = tpu.vector_load %arg7[%get3A_669, %get3A_670] {strides = array<i32>} : memref<16x128xi32, #tpu.memory_space<vmem>>, vector<16xi32>,
    %mul3A_672 = arith.constant 8 : i32
    %mul3A_673 = vector.broadcast %mul3A_672 : i32 to vector<16xi32>
    %mul3A_674 = arith.muli %get3A_671, %mul3A_673 : vector<16xi32>
    %add3A_675 = arith.addi %add3A_667, %mul3A_674 : vector<16xi32>
    %get3A_676 = arith.constant 13 : i32
    %get3A_677 = arith.index_cast %get3A_676 : i32 to index
    %get3A_678 = arith.constant 64 : index
    %get3A_679 = tpu.vector_load %arg7[%get3A_677, %get3A_678] {strides = array<i32>} : memref<16x128xi32, #tpu.memory_space<vmem>>, vector<16xi32>,
    %mul3A_680 = arith.constant 4 : i32
    %mul3A_681 = vector.broadcast %mul3A_680 : i32 to vector<16xi32>
    %mul3A_682 = arith.muli %get3A_679, %mul3A_681 : vector<16xi32>
    %add3A_683 = arith.addi %add3A_675, %mul3A_682 : vector<16xi32>
    %get3A_684 = arith.constant 14 : i32
    %get3A_685 = arith.index_cast %get3A_684 : i32 to index
    %get3A_686 = arith.constant 64 : index
    %get3A_687 = tpu.vector_load %arg7[%get3A_685, %get3A_686] {strides = array<i32>} : memref<16x128xi32, #tpu.memory_space<vmem>>, vector<16xi32>,
    %mul3A_688 = arith.constant 2 : i32
    %mul3A_689 = vector.broadcast %mul3A_688 : i32 to vector<16xi32>
    %mul3A_690 = arith.muli %get3A_687, %mul3A_689 : vector<16xi32>
    %add3A_691 = arith.addi %add3A_683, %mul3A_690 : vector<16xi32>
    %get3A_692 = arith.constant 15 : i32
    %get3A_693 = arith.index_cast %get3A_692 : i32 to index
    %get3A_694 = arith.constant 64 : index
    %get3A_695 = tpu.vector_load %arg7[%get3A_693, %get3A_694] {strides = array<i32>} : memref<16x128xi32, #tpu.memory_space<vmem>>, vector<16xi32>,
    %mul3A_696 = arith.constant 1 : i32
    %mul3A_697 = vector.broadcast %mul3A_696 : i32 to vector<16xi32>
    %mul3A_698 = arith.muli %get3A_695, %mul3A_697 : vector<16xi32>
    %add3A_699 = arith.addi %add3A_691, %mul3A_698 : vector<16xi32>
    %ge3A_700 = arith.constant 85536 : i32
    %ge3A_701 = vector.broadcast %ge3A_700 : i32 to vector<16xi32>
    %ge3A_702 = arith.cmpi sge, %add3A_699, %ge3A_701 : vector<16xi32>
    %sub3A_703 = arith.constant 85536 : i32
    %sub3A_704 = vector.broadcast %sub3A_703 : i32 to vector<16xi32>
    %sub3A_705 = arith.subi %add3A_699, %sub3A_704 : vector<16xi32>
    %select_n3A_706 = arith.select %ge3A_702, %sub3A_705, %add3A_699 : vector<16xi1>, vector<16xi32>
    %scan3A_707 = arith.constant 0 : i32
    %scan3A_708 = arith.constant 0 : i32
    %scan3A_709 = arith.constant 16 : i32
    %scan3A_710 = arith.addi %scan3A_708, %scan3A_709 : i32
    %scan3A_711 = arith.constant 1 : i32
    scf.for %scan3A_1147 = %scan3A_708 to %scan3A_710 step %scan3A_711  : i32 {
      %eq3A = vector.broadcast %scan3A_1147 : i32 to vector<16xi32>
      %eq3A_1148 = arith.cmpi eq, %iota3A, %eq3A : vector<16xi32>
      %jit3A = arith.constant 0 : i32
      %broadcast_in_dim3A = vector.broadcast %jit3A : i32 to vector<16xi32>
      %select_n3A_1149 = arith.select %eq3A_1148, %select_n3A_706, %broadcast_in_dim3A : vector<16xi1>, vector<16xi32>
      %reduce_max3A = arith.constant true
      %reduce_max3A_1150 = vector.broadcast %reduce_max3A : i1 to vector<16xi1>
      %reduce_max3A_1151 = arith.constant -2147483648 : i32
      %reduce_max3A_1152 = vector.broadcast %reduce_max3A_1151 : i32 to vector<16xi32>
      %reduce_max3A_1153 = arith.xori %select_n3A_1149, %reduce_max3A_1152 : vector<16xi32>
      %reduce_max3A_1154 = tpu.scan <max>, %reduce_max3A_1153 masked %reduce_max3A_1150 : vector<16xi32>, vector<16xi1> -> vector<16xi32>
      %reduce_max3A_1155 = arith.xori %reduce_max3A_1154, %reduce_max3A_1152 : vector<16xi32>
      %reduce_max3A_1156 = vector.extract %reduce_max3A_1155[15] : i32 from vector<16xi32>
      %add3A_1157 = arith.constant 64 : i32
      %add3A_1158 = arith.addi %add3A_1157, %scan3A_1147 : i32
      %dma_start3A = arith.constant 0 : i32
      %dma_start3A_1159 = tpu.memref_slice %arg8[%add3A_1158, %dma_start3A] : memref<128x64xf32, #tpu.memory_space<vmem>> -> memref<1x64xf32, #tpu.memory_space<vmem>>
      %dma_start3A_1160 = tpu.memref_squeeze %dma_start3A_1159 : memref<1x64xf32, #tpu.memory_space<vmem>> -> memref<64xf32, #tpu.memory_space<vmem>>
      %dma_start3A_1161 = arith.constant 0 : i32
      %dma_start3A_1162 = tpu.memref_slice %arg4[%reduce_max3A_1156, %dma_start3A_1161] : memref<85536x64xf32, #tpu.memory_space<hbm>> -> memref<1x64xf32, #tpu.memory_space<hbm>>
      %dma_start3A_1163 = tpu.memref_squeeze %dma_start3A_1162 : memref<1x64xf32, #tpu.memory_space<hbm>> -> memref<64xf32, #tpu.memory_space<hbm>>
      %dma_start3A_1164 = arith.constant 0 : i32
      %dma_start3A_1165 = tpu.memref_slice %arg8[%add3A_1158, %dma_start3A_1164] : memref<128x64xf32, #tpu.memory_space<vmem>> -> memref<1x64xf32, #tpu.memory_space<vmem>>
      %dma_start3A_1166 = tpu.memref_squeeze %dma_start3A_1165 : memref<1x64xf32, #tpu.memory_space<vmem>> -> memref<64xf32, #tpu.memory_space<vmem>>
      %dma_start3A_1167 = arith.constant 0 : i32
      %dma_start3A_1168 = tpu.memref_slice %arg4[%reduce_max3A_1156, %dma_start3A_1167] : memref<85536x64xf32, #tpu.memory_space<hbm>> -> memref<1x64xf32, #tpu.memory_space<hbm>>
      %dma_start3A_1169 = tpu.memref_squeeze %dma_start3A_1168 : memref<1x64xf32, #tpu.memory_space<hbm>> -> memref<64xf32, #tpu.memory_space<hbm>>
      tpu.enqueue_dma source(%dma_start3A_1169 : memref<64xf32, #tpu.memory_space<hbm>>) target(%dma_start3A_1166 : memref<64xf32, #tpu.memory_space<vmem>>) target_semaphore(%arg9 : memref<!tpu.dma_semaphore, #tpu.memory_space<semaphore_mem>>)
    }
    %scan3A_712 = arith.constant 16 : i32
    %get3A_713 = arith.constant 80 : index
    %get3A_714 = tpu.vector_load %arg6[%get3A_713] {strides = array<i32>} : memref<128xi32, #tpu.memory_space<vmem>>, vector<16xi32>,
    %get3A_715 = arith.constant 0 : i32
    %get3A_716 = arith.index_cast %get3A_715 : i32 to index
    %get3A_717 = arith.constant 80 : index
    %get3A_718 = tpu.vector_load %arg7[%get3A_716, %get3A_717] {strides = array<i32>} : memref<16x128xi32, #tpu.memory_space<vmem>>, vector<16xi32>,
    %mul3A_719 = arith.constant 32768 : i32
    %mul3A_720 = vector.broadcast %mul3A_719 : i32 to vector<16xi32>
    %mul3A_721 = arith.muli %get3A_718, %mul3A_720 : vector<16xi32>
    %add3A_722 = arith.addi %get3A_714, %mul3A_721 : vector<16xi32>
    %get3A_723 = arith.constant 1 : i32
    %get3A_724 = arith.index_cast %get3A_723 : i32 to index
    %get3A_725 = arith.constant 80 : index
    %get3A_726 = tpu.vector_load %arg7[%get3A_724, %get3A_725] {strides = array<i32>} : memref<16x128xi32, #tpu.memory_space<vmem>>, vector<16xi32>,
    %mul3A_727 = arith.constant 16384 : i32
    %mul3A_728 = vector.broadcast %mul3A_727 : i32 to vector<16xi32>
    %mul3A_729 = arith.muli %get3A_726, %mul3A_728 : vector<16xi32>
    %add3A_730 = arith.addi %add3A_722, %mul3A_729 : vector<16xi32>
    %get3A_731 = arith.constant 2 : i32
    %get3A_732 = arith.index_cast %get3A_731 : i32 to index
    %get3A_733 = arith.constant 80 : index
    %get3A_734 = tpu.vector_load %arg7[%get3A_732, %get3A_733] {strides = array<i32>} : memref<16x128xi32, #tpu.memory_space<vmem>>, vector<16xi32>,
    %mul3A_735 = arith.constant 8192 : i32
    %mul3A_736 = vector.broadcast %mul3A_735 : i32 to vector<16xi32>
    %mul3A_737 = arith.muli %get3A_734, %mul3A_736 : vector<16xi32>
    %add3A_738 = arith.addi %add3A_730, %mul3A_737 : vector<16xi32>
    %get3A_739 = arith.constant 3 : i32
    %get3A_740 = arith.index_cast %get3A_739 : i32 to index
    %get3A_741 = arith.constant 80 : index
    %get3A_742 = tpu.vector_load %arg7[%get3A_740, %get3A_741] {strides = array<i32>} : memref<16x128xi32, #tpu.memory_space<vmem>>, vector<16xi32>,
    %mul3A_743 = arith.constant 4096 : i32
    %mul3A_744 = vector.broadcast %mul3A_743 : i32 to vector<16xi32>
    %mul3A_745 = arith.muli %get3A_742, %mul3A_744 : vector<16xi32>
    %add3A_746 = arith.addi %add3A_738, %mul3A_745 : vector<16xi32>
    %get3A_747 = arith.constant 4 : i32
    %get3A_748 = arith.index_cast %get3A_747 : i32 to index
    %get3A_749 = arith.constant 80 : index
    %get3A_750 = tpu.vector_load %arg7[%get3A_748, %get3A_749] {strides = array<i32>} : memref<16x128xi32, #tpu.memory_space<vmem>>, vector<16xi32>,
    %mul3A_751 = arith.constant 2048 : i32
    %mul3A_752 = vector.broadcast %mul3A_751 : i32 to vector<16xi32>
    %mul3A_753 = arith.muli %get3A_750, %mul3A_752 : vector<16xi32>
    %add3A_754 = arith.addi %add3A_746, %mul3A_753 : vector<16xi32>
    %get3A_755 = arith.constant 5 : i32
    %get3A_756 = arith.index_cast %get3A_755 : i32 to index
    %get3A_757 = arith.constant 80 : index
    %get3A_758 = tpu.vector_load %arg7[%get3A_756, %get3A_757] {strides = array<i32>} : memref<16x128xi32, #tpu.memory_space<vmem>>, vector<16xi32>,
    %mul3A_759 = arith.constant 1024 : i32
    %mul3A_760 = vector.broadcast %mul3A_759 : i32 to vector<16xi32>
    %mul3A_761 = arith.muli %get3A_758, %mul3A_760 : vector<16xi32>
    %add3A_762 = arith.addi %add3A_754, %mul3A_761 : vector<16xi32>
    %get3A_763 = arith.constant 6 : i32
    %get3A_764 = arith.index_cast %get3A_763 : i32 to index
    %get3A_765 = arith.constant 80 : index
    %get3A_766 = tpu.vector_load %arg7[%get3A_764, %get3A_765] {strides = array<i32>} : memref<16x128xi32, #tpu.memory_space<vmem>>, vector<16xi32>,
    %mul3A_767 = arith.constant 512 : i32
    %mul3A_768 = vector.broadcast %mul3A_767 : i32 to vector<16xi32>
    %mul3A_769 = arith.muli %get3A_766, %mul3A_768 : vector<16xi32>
    %add3A_770 = arith.addi %add3A_762, %mul3A_769 : vector<16xi32>
    %get3A_771 = arith.constant 7 : i32
    %get3A_772 = arith.index_cast %get3A_771 : i32 to index
    %get3A_773 = arith.constant 80 : index
    %get3A_774 = tpu.vector_load %arg7[%get3A_772, %get3A_773] {strides = array<i32>} : memref<16x128xi32, #tpu.memory_space<vmem>>, vector<16xi32>,
    %mul3A_775 = arith.constant 256 : i32
    %mul3A_776 = vector.broadcast %mul3A_775 : i32 to vector<16xi32>
    %mul3A_777 = arith.muli %get3A_774, %mul3A_776 : vector<16xi32>
    %add3A_778 = arith.addi %add3A_770, %mul3A_777 : vector<16xi32>
    %get3A_779 = arith.constant 8 : i32
    %get3A_780 = arith.index_cast %get3A_779 : i32 to index
    %get3A_781 = arith.constant 80 : index
    %get3A_782 = tpu.vector_load %arg7[%get3A_780, %get3A_781] {strides = array<i32>} : memref<16x128xi32, #tpu.memory_space<vmem>>, vector<16xi32>,
    %mul3A_783 = arith.constant 128 : i32
    %mul3A_784 = vector.broadcast %mul3A_783 : i32 to vector<16xi32>
    %mul3A_785 = arith.muli %get3A_782, %mul3A_784 : vector<16xi32>
    %add3A_786 = arith.addi %add3A_778, %mul3A_785 : vector<16xi32>
    %get3A_787 = arith.constant 9 : i32
    %get3A_788 = arith.index_cast %get3A_787 : i32 to index
    %get3A_789 = arith.constant 80 : index
    %get3A_790 = tpu.vector_load %arg7[%get3A_788, %get3A_789] {strides = array<i32>} : memref<16x128xi32, #tpu.memory_space<vmem>>, vector<16xi32>,
    %mul3A_791 = arith.constant 64 : i32
    %mul3A_792 = vector.broadcast %mul3A_791 : i32 to vector<16xi32>
    %mul3A_793 = arith.muli %get3A_790, %mul3A_792 : vector<16xi32>
    %add3A_794 = arith.addi %add3A_786, %mul3A_793 : vector<16xi32>
    %get3A_795 = arith.constant 10 : i32
    %get3A_796 = arith.index_cast %get3A_795 : i32 to index
    %get3A_797 = arith.constant 80 : index
    %get3A_798 = tpu.vector_load %arg7[%get3A_796, %get3A_797] {strides = array<i32>} : memref<16x128xi32, #tpu.memory_space<vmem>>, vector<16xi32>,
    %mul3A_799 = arith.constant 32 : i32
    %mul3A_800 = vector.broadcast %mul3A_799 : i32 to vector<16xi32>
    %mul3A_801 = arith.muli %get3A_798, %mul3A_800 : vector<16xi32>
    %add3A_802 = arith.addi %add3A_794, %mul3A_801 : vector<16xi32>
    %get3A_803 = arith.constant 11 : i32
    %get3A_804 = arith.index_cast %get3A_803 : i32 to index
    %get3A_805 = arith.constant 80 : index
    %get3A_806 = tpu.vector_load %arg7[%get3A_804, %get3A_805] {strides = array<i32>} : memref<16x128xi32, #tpu.memory_space<vmem>>, vector<16xi32>,
    %mul3A_807 = arith.constant 16 : i32
    %mul3A_808 = vector.broadcast %mul3A_807 : i32 to vector<16xi32>
    %mul3A_809 = arith.muli %get3A_806, %mul3A_808 : vector<16xi32>
    %add3A_810 = arith.addi %add3A_802, %mul3A_809 : vector<16xi32>
    %get3A_811 = arith.constant 12 : i32
    %get3A_812 = arith.index_cast %get3A_811 : i32 to index
    %get3A_813 = arith.constant 80 : index
    %get3A_814 = tpu.vector_load %arg7[%get3A_812, %get3A_813] {strides = array<i32>} : memref<16x128xi32, #tpu.memory_space<vmem>>, vector<16xi32>,
    %mul3A_815 = arith.constant 8 : i32
    %mul3A_816 = vector.broadcast %mul3A_815 : i32 to vector<16xi32>
    %mul3A_817 = arith.muli %get3A_814, %mul3A_816 : vector<16xi32>
    %add3A_818 = arith.addi %add3A_810, %mul3A_817 : vector<16xi32>
    %get3A_819 = arith.constant 13 : i32
    %get3A_820 = arith.index_cast %get3A_819 : i32 to index
    %get3A_821 = arith.constant 80 : index
    %get3A_822 = tpu.vector_load %arg7[%get3A_820, %get3A_821] {strides = array<i32>} : memref<16x128xi32, #tpu.memory_space<vmem>>, vector<16xi32>,
    %mul3A_823 = arith.constant 4 : i32
    %mul3A_824 = vector.broadcast %mul3A_823 : i32 to vector<16xi32>
    %mul3A_825 = arith.muli %get3A_822, %mul3A_824 : vector<16xi32>
    %add3A_826 = arith.addi %add3A_818, %mul3A_825 : vector<16xi32>
    %get3A_827 = arith.constant 14 : i32
    %get3A_828 = arith.index_cast %get3A_827 : i32 to index
    %get3A_829 = arith.constant 80 : index
    %get3A_830 = tpu.vector_load %arg7[%get3A_828, %get3A_829] {strides = array<i32>} : memref<16x128xi32, #tpu.memory_space<vmem>>, vector<16xi32>,
    %mul3A_831 = arith.constant 2 : i32
    %mul3A_832 = vector.broadcast %mul3A_831 : i32 to vector<16xi32>
    %mul3A_833 = arith.muli %get3A_830, %mul3A_832 : vector<16xi32>
    %add3A_834 = arith.addi %add3A_826, %mul3A_833 : vector<16xi32>
    %get3A_835 = arith.constant 15 : i32
    %get3A_836 = arith.index_cast %get3A_835 : i32 to index
    %get3A_837 = arith.constant 80 : index
    %get3A_838 = tpu.vector_load %arg7[%get3A_836, %get3A_837] {strides = array<i32>} : memref<16x128xi32, #tpu.memory_space<vmem>>, vector<16xi32>,
    %mul3A_839 = arith.constant 1 : i32
    %mul3A_840 = vector.broadcast %mul3A_839 : i32 to vector<16xi32>
    %mul3A_841 = arith.muli %get3A_838, %mul3A_840 : vector<16xi32>
    %add3A_842 = arith.addi %add3A_834, %mul3A_841 : vector<16xi32>
    %ge3A_843 = arith.constant 85536 : i32
    %ge3A_844 = vector.broadcast %ge3A_843 : i32 to vector<16xi32>
    %ge3A_845 = arith.cmpi sge, %add3A_842, %ge3A_844 : vector<16xi32>
    %sub3A_846 = arith.constant 85536 : i32
    %sub3A_847 = vector.broadcast %sub3A_846 : i32 to vector<16xi32>
    %sub3A_848 = arith.subi %add3A_842, %sub3A_847 : vector<16xi32>
    %select_n3A_849 = arith.select %ge3A_845, %sub3A_848, %add3A_842 : vector<16xi1>, vector<16xi32>
    %scan3A_850 = arith.constant 0 : i32
    %scan3A_851 = arith.constant 0 : i32
    %scan3A_852 = arith.constant 16 : i32
    %scan3A_853 = arith.addi %scan3A_851, %scan3A_852 : i32
    %scan3A_854 = arith.constant 1 : i32
    scf.for %scan3A_1147 = %scan3A_851 to %scan3A_853 step %scan3A_854  : i32 {
      %eq3A = vector.broadcast %scan3A_1147 : i32 to vector<16xi32>
      %eq3A_1148 = arith.cmpi eq, %iota3A, %eq3A : vector<16xi32>
      %jit3A = arith.constant 0 : i32
      %broadcast_in_dim3A = vector.broadcast %jit3A : i32 to vector<16xi32>
      %select_n3A_1149 = arith.select %eq3A_1148, %select_n3A_849, %broadcast_in_dim3A : vector<16xi1>, vector<16xi32>
      %reduce_max3A = arith.constant true
      %reduce_max3A_1150 = vector.broadcast %reduce_max3A : i1 to vector<16xi1>
      %reduce_max3A_1151 = arith.constant -2147483648 : i32
      %reduce_max3A_1152 = vector.broadcast %reduce_max3A_1151 : i32 to vector<16xi32>
      %reduce_max3A_1153 = arith.xori %select_n3A_1149, %reduce_max3A_1152 : vector<16xi32>
      %reduce_max3A_1154 = tpu.scan <max>, %reduce_max3A_1153 masked %reduce_max3A_1150 : vector<16xi32>, vector<16xi1> -> vector<16xi32>
      %reduce_max3A_1155 = arith.xori %reduce_max3A_1154, %reduce_max3A_1152 : vector<16xi32>
      %reduce_max3A_1156 = vector.extract %reduce_max3A_1155[15] : i32 from vector<16xi32>
      %add3A_1157 = arith.constant 80 : i32
      %add3A_1158 = arith.addi %add3A_1157, %scan3A_1147 : i32
      %dma_start3A = arith.constant 0 : i32
      %dma_start3A_1159 = tpu.memref_slice %arg8[%add3A_1158, %dma_start3A] : memref<128x64xf32, #tpu.memory_space<vmem>> -> memref<1x64xf32, #tpu.memory_space<vmem>>
      %dma_start3A_1160 = tpu.memref_squeeze %dma_start3A_1159 : memref<1x64xf32, #tpu.memory_space<vmem>> -> memref<64xf32, #tpu.memory_space<vmem>>
      %dma_start3A_1161 = arith.constant 0 : i32
      %dma_start3A_1162 = tpu.memref_slice %arg4[%reduce_max3A_1156, %dma_start3A_1161] : memref<85536x64xf32, #tpu.memory_space<hbm>> -> memref<1x64xf32, #tpu.memory_space<hbm>>
      %dma_start3A_1163 = tpu.memref_squeeze %dma_start3A_1162 : memref<1x64xf32, #tpu.memory_space<hbm>> -> memref<64xf32, #tpu.memory_space<hbm>>
      %dma_start3A_1164 = arith.constant 0 : i32
      %dma_start3A_1165 = tpu.memref_slice %arg8[%add3A_1158, %dma_start3A_1164] : memref<128x64xf32, #tpu.memory_space<vmem>> -> memref<1x64xf32, #tpu.memory_space<vmem>>
      %dma_start3A_1166 = tpu.memref_squeeze %dma_start3A_1165 : memref<1x64xf32, #tpu.memory_space<vmem>> -> memref<64xf32, #tpu.memory_space<vmem>>
      %dma_start3A_1167 = arith.constant 0 : i32
      %dma_start3A_1168 = tpu.memref_slice %arg4[%reduce_max3A_1156, %dma_start3A_1167] : memref<85536x64xf32, #tpu.memory_space<hbm>> -> memref<1x64xf32, #tpu.memory_space<hbm>>
      %dma_start3A_1169 = tpu.memref_squeeze %dma_start3A_1168 : memref<1x64xf32, #tpu.memory_space<hbm>> -> memref<64xf32, #tpu.memory_space<hbm>>
      tpu.enqueue_dma source(%dma_start3A_1169 : memref<64xf32, #tpu.memory_space<hbm>>) target(%dma_start3A_1166 : memref<64xf32, #tpu.memory_space<vmem>>) target_semaphore(%arg9 : memref<!tpu.dma_semaphore, #tpu.memory_space<semaphore_mem>>)
    }
    %scan3A_855 = arith.constant 16 : i32
    %get3A_856 = arith.constant 96 : index
    %get3A_857 = tpu.vector_load %arg6[%get3A_856] {strides = array<i32>} : memref<128xi32, #tpu.memory_space<vmem>>, vector<16xi32>,
    %get3A_858 = arith.constant 0 : i32
    %get3A_859 = arith.index_cast %get3A_858 : i32 to index
    %get3A_860 = arith.constant 96 : index
    %get3A_861 = tpu.vector_load %arg7[%get3A_859, %get3A_860] {strides = array<i32>} : memref<16x128xi32, #tpu.memory_space<vmem>>, vector<16xi32>,
    %mul3A_862 = arith.constant 32768 : i32
    %mul3A_863 = vector.broadcast %mul3A_862 : i32 to vector<16xi32>
    %mul3A_864 = arith.muli %get3A_861, %mul3A_863 : vector<16xi32>
    %add3A_865 = arith.addi %get3A_857, %mul3A_864 : vector<16xi32>
    %get3A_866 = arith.constant 1 : i32
    %get3A_867 = arith.index_cast %get3A_866 : i32 to index
    %get3A_868 = arith.constant 96 : index
    %get3A_869 = tpu.vector_load %arg7[%get3A_867, %get3A_868] {strides = array<i32>} : memref<16x128xi32, #tpu.memory_space<vmem>>, vector<16xi32>,
    %mul3A_870 = arith.constant 16384 : i32
    %mul3A_871 = vector.broadcast %mul3A_870 : i32 to vector<16xi32>
    %mul3A_872 = arith.muli %get3A_869, %mul3A_871 : vector<16xi32>
    %add3A_873 = arith.addi %add3A_865, %mul3A_872 : vector<16xi32>
    %get3A_874 = arith.constant 2 : i32
    %get3A_875 = arith.index_cast %get3A_874 : i32 to index
    %get3A_876 = arith.constant 96 : index
    %get3A_877 = tpu.vector_load %arg7[%get3A_875, %get3A_876] {strides = array<i32>} : memref<16x128xi32, #tpu.memory_space<vmem>>, vector<16xi32>,
    %mul3A_878 = arith.constant 8192 : i32
    %mul3A_879 = vector.broadcast %mul3A_878 : i32 to vector<16xi32>
    %mul3A_880 = arith.muli %get3A_877, %mul3A_879 : vector<16xi32>
    %add3A_881 = arith.addi %add3A_873, %mul3A_880 : vector<16xi32>
    %get3A_882 = arith.constant 3 : i32
    %get3A_883 = arith.index_cast %get3A_882 : i32 to index
    %get3A_884 = arith.constant 96 : index
    %get3A_885 = tpu.vector_load %arg7[%get3A_883, %get3A_884] {strides = array<i32>} : memref<16x128xi32, #tpu.memory_space<vmem>>, vector<16xi32>,
    %mul3A_886 = arith.constant 4096 : i32
    %mul3A_887 = vector.broadcast %mul3A_886 : i32 to vector<16xi32>
    %mul3A_888 = arith.muli %get3A_885, %mul3A_887 : vector<16xi32>
    %add3A_889 = arith.addi %add3A_881, %mul3A_888 : vector<16xi32>
    %get3A_890 = arith.constant 4 : i32
    %get3A_891 = arith.index_cast %get3A_890 : i32 to index
    %get3A_892 = arith.constant 96 : index
    %get3A_893 = tpu.vector_load %arg7[%get3A_891, %get3A_892] {strides = array<i32>} : memref<16x128xi32, #tpu.memory_space<vmem>>, vector<16xi32>,
    %mul3A_894 = arith.constant 2048 : i32
    %mul3A_895 = vector.broadcast %mul3A_894 : i32 to vector<16xi32>
    %mul3A_896 = arith.muli %get3A_893, %mul3A_895 : vector<16xi32>
    %add3A_897 = arith.addi %add3A_889, %mul3A_896 : vector<16xi32>
    %get3A_898 = arith.constant 5 : i32
    %get3A_899 = arith.index_cast %get3A_898 : i32 to index
    %get3A_900 = arith.constant 96 : index
    %get3A_901 = tpu.vector_load %arg7[%get3A_899, %get3A_900] {strides = array<i32>} : memref<16x128xi32, #tpu.memory_space<vmem>>, vector<16xi32>,
    %mul3A_902 = arith.constant 1024 : i32
    %mul3A_903 = vector.broadcast %mul3A_902 : i32 to vector<16xi32>
    %mul3A_904 = arith.muli %get3A_901, %mul3A_903 : vector<16xi32>
    %add3A_905 = arith.addi %add3A_897, %mul3A_904 : vector<16xi32>
    %get3A_906 = arith.constant 6 : i32
    %get3A_907 = arith.index_cast %get3A_906 : i32 to index
    %get3A_908 = arith.constant 96 : index
    %get3A_909 = tpu.vector_load %arg7[%get3A_907, %get3A_908] {strides = array<i32>} : memref<16x128xi32, #tpu.memory_space<vmem>>, vector<16xi32>,
    %mul3A_910 = arith.constant 512 : i32
    %mul3A_911 = vector.broadcast %mul3A_910 : i32 to vector<16xi32>
    %mul3A_912 = arith.muli %get3A_909, %mul3A_911 : vector<16xi32>
    %add3A_913 = arith.addi %add3A_905, %mul3A_912 : vector<16xi32>
    %get3A_914 = arith.constant 7 : i32
    %get3A_915 = arith.index_cast %get3A_914 : i32 to index
    %get3A_916 = arith.constant 96 : index
    %get3A_917 = tpu.vector_load %arg7[%get3A_915, %get3A_916] {strides = array<i32>} : memref<16x128xi32, #tpu.memory_space<vmem>>, vector<16xi32>,
    %mul3A_918 = arith.constant 256 : i32
    %mul3A_919 = vector.broadcast %mul3A_918 : i32 to vector<16xi32>
    %mul3A_920 = arith.muli %get3A_917, %mul3A_919 : vector<16xi32>
    %add3A_921 = arith.addi %add3A_913, %mul3A_920 : vector<16xi32>
    %get3A_922 = arith.constant 8 : i32
    %get3A_923 = arith.index_cast %get3A_922 : i32 to index
    %get3A_924 = arith.constant 96 : index
    %get3A_925 = tpu.vector_load %arg7[%get3A_923, %get3A_924] {strides = array<i32>} : memref<16x128xi32, #tpu.memory_space<vmem>>, vector<16xi32>,
    %mul3A_926 = arith.constant 128 : i32
    %mul3A_927 = vector.broadcast %mul3A_926 : i32 to vector<16xi32>
    %mul3A_928 = arith.muli %get3A_925, %mul3A_927 : vector<16xi32>
    %add3A_929 = arith.addi %add3A_921, %mul3A_928 : vector<16xi32>
    %get3A_930 = arith.constant 9 : i32
    %get3A_931 = arith.index_cast %get3A_930 : i32 to index
    %get3A_932 = arith.constant 96 : index
    %get3A_933 = tpu.vector_load %arg7[%get3A_931, %get3A_932] {strides = array<i32>} : memref<16x128xi32, #tpu.memory_space<vmem>>, vector<16xi32>,
    %mul3A_934 = arith.constant 64 : i32
    %mul3A_935 = vector.broadcast %mul3A_934 : i32 to vector<16xi32>
    %mul3A_936 = arith.muli %get3A_933, %mul3A_935 : vector<16xi32>
    %add3A_937 = arith.addi %add3A_929, %mul3A_936 : vector<16xi32>
    %get3A_938 = arith.constant 10 : i32
    %get3A_939 = arith.index_cast %get3A_938 : i32 to index
    %get3A_940 = arith.constant 96 : index
    %get3A_941 = tpu.vector_load %arg7[%get3A_939, %get3A_940] {strides = array<i32>} : memref<16x128xi32, #tpu.memory_space<vmem>>, vector<16xi32>,
    %mul3A_942 = arith.constant 32 : i32
    %mul3A_943 = vector.broadcast %mul3A_942 : i32 to vector<16xi32>
    %mul3A_944 = arith.muli %get3A_941, %mul3A_943 : vector<16xi32>
    %add3A_945 = arith.addi %add3A_937, %mul3A_944 : vector<16xi32>
    %get3A_946 = arith.constant 11 : i32
    %get3A_947 = arith.index_cast %get3A_946 : i32 to index
    %get3A_948 = arith.constant 96 : index
    %get3A_949 = tpu.vector_load %arg7[%get3A_947, %get3A_948] {strides = array<i32>} : memref<16x128xi32, #tpu.memory_space<vmem>>, vector<16xi32>,
    %mul3A_950 = arith.constant 16 : i32
    %mul3A_951 = vector.broadcast %mul3A_950 : i32 to vector<16xi32>
    %mul3A_952 = arith.muli %get3A_949, %mul3A_951 : vector<16xi32>
    %add3A_953 = arith.addi %add3A_945, %mul3A_952 : vector<16xi32>
    %get3A_954 = arith.constant 12 : i32
    %get3A_955 = arith.index_cast %get3A_954 : i32 to index
    %get3A_956 = arith.constant 96 : index
    %get3A_957 = tpu.vector_load %arg7[%get3A_955, %get3A_956] {strides = array<i32>} : memref<16x128xi32, #tpu.memory_space<vmem>>, vector<16xi32>,
    %mul3A_958 = arith.constant 8 : i32
    %mul3A_959 = vector.broadcast %mul3A_958 : i32 to vector<16xi32>
    %mul3A_960 = arith.muli %get3A_957, %mul3A_959 : vector<16xi32>
    %add3A_961 = arith.addi %add3A_953, %mul3A_960 : vector<16xi32>
    %get3A_962 = arith.constant 13 : i32
    %get3A_963 = arith.index_cast %get3A_962 : i32 to index
    %get3A_964 = arith.constant 96 : index
    %get3A_965 = tpu.vector_load %arg7[%get3A_963, %get3A_964] {strides = array<i32>} : memref<16x128xi32, #tpu.memory_space<vmem>>, vector<16xi32>,
    %mul3A_966 = arith.constant 4 : i32
    %mul3A_967 = vector.broadcast %mul3A_966 : i32 to vector<16xi32>
    %mul3A_968 = arith.muli %get3A_965, %mul3A_967 : vector<16xi32>
    %add3A_969 = arith.addi %add3A_961, %mul3A_968 : vector<16xi32>
    %get3A_970 = arith.constant 14 : i32
    %get3A_971 = arith.index_cast %get3A_970 : i32 to index
    %get3A_972 = arith.constant 96 : index
    %get3A_973 = tpu.vector_load %arg7[%get3A_971, %get3A_972] {strides = array<i32>} : memref<16x128xi32, #tpu.memory_space<vmem>>, vector<16xi32>,
    %mul3A_974 = arith.constant 2 : i32
    %mul3A_975 = vector.broadcast %mul3A_974 : i32 to vector<16xi32>
    %mul3A_976 = arith.muli %get3A_973, %mul3A_975 : vector<16xi32>
    %add3A_977 = arith.addi %add3A_969, %mul3A_976 : vector<16xi32>
    %get3A_978 = arith.constant 15 : i32
    %get3A_979 = arith.index_cast %get3A_978 : i32 to index
    %get3A_980 = arith.constant 96 : index
    %get3A_981 = tpu.vector_load %arg7[%get3A_979, %get3A_980] {strides = array<i32>} : memref<16x128xi32, #tpu.memory_space<vmem>>, vector<16xi32>,
    %mul3A_982 = arith.constant 1 : i32
    %mul3A_983 = vector.broadcast %mul3A_982 : i32 to vector<16xi32>
    %mul3A_984 = arith.muli %get3A_981, %mul3A_983 : vector<16xi32>
    %add3A_985 = arith.addi %add3A_977, %mul3A_984 : vector<16xi32>
    %ge3A_986 = arith.constant 85536 : i32
    %ge3A_987 = vector.broadcast %ge3A_986 : i32 to vector<16xi32>
    %ge3A_988 = arith.cmpi sge, %add3A_985, %ge3A_987 : vector<16xi32>
    %sub3A_989 = arith.constant 85536 : i32
    %sub3A_990 = vector.broadcast %sub3A_989 : i32 to vector<16xi32>
    %sub3A_991 = arith.subi %add3A_985, %sub3A_990 : vector<16xi32>
    %select_n3A_992 = arith.select %ge3A_988, %sub3A_991, %add3A_985 : vector<16xi1>, vector<16xi32>
    %scan3A_993 = arith.constant 0 : i32
    %scan3A_994 = arith.constant 0 : i32
    %scan3A_995 = arith.constant 16 : i32
    %scan3A_996 = arith.addi %scan3A_994, %scan3A_995 : i32
    %scan3A_997 = arith.constant 1 : i32
    scf.for %scan3A_1147 = %scan3A_994 to %scan3A_996 step %scan3A_997  : i32 {
      %eq3A = vector.broadcast %scan3A_1147 : i32 to vector<16xi32>
      %eq3A_1148 = arith.cmpi eq, %iota3A, %eq3A : vector<16xi32>
      %jit3A = arith.constant 0 : i32
      %broadcast_in_dim3A = vector.broadcast %jit3A : i32 to vector<16xi32>
      %select_n3A_1149 = arith.select %eq3A_1148, %select_n3A_992, %broadcast_in_dim3A : vector<16xi1>, vector<16xi32>
      %reduce_max3A = arith.constant true
      %reduce_max3A_1150 = vector.broadcast %reduce_max3A : i1 to vector<16xi1>
      %reduce_max3A_1151 = arith.constant -2147483648 : i32
      %reduce_max3A_1152 = vector.broadcast %reduce_max3A_1151 : i32 to vector<16xi32>
      %reduce_max3A_1153 = arith.xori %select_n3A_1149, %reduce_max3A_1152 : vector<16xi32>
      %reduce_max3A_1154 = tpu.scan <max>, %reduce_max3A_1153 masked %reduce_max3A_1150 : vector<16xi32>, vector<16xi1> -> vector<16xi32>
      %reduce_max3A_1155 = arith.xori %reduce_max3A_1154, %reduce_max3A_1152 : vector<16xi32>
      %reduce_max3A_1156 = vector.extract %reduce_max3A_1155[15] : i32 from vector<16xi32>
      %add3A_1157 = arith.constant 96 : i32
      %add3A_1158 = arith.addi %add3A_1157, %scan3A_1147 : i32
      %dma_start3A = arith.constant 0 : i32
      %dma_start3A_1159 = tpu.memref_slice %arg8[%add3A_1158, %dma_start3A] : memref<128x64xf32, #tpu.memory_space<vmem>> -> memref<1x64xf32, #tpu.memory_space<vmem>>
      %dma_start3A_1160 = tpu.memref_squeeze %dma_start3A_1159 : memref<1x64xf32, #tpu.memory_space<vmem>> -> memref<64xf32, #tpu.memory_space<vmem>>
      %dma_start3A_1161 = arith.constant 0 : i32
      %dma_start3A_1162 = tpu.memref_slice %arg4[%reduce_max3A_1156, %dma_start3A_1161] : memref<85536x64xf32, #tpu.memory_space<hbm>> -> memref<1x64xf32, #tpu.memory_space<hbm>>
      %dma_start3A_1163 = tpu.memref_squeeze %dma_start3A_1162 : memref<1x64xf32, #tpu.memory_space<hbm>> -> memref<64xf32, #tpu.memory_space<hbm>>
      %dma_start3A_1164 = arith.constant 0 : i32
      %dma_start3A_1165 = tpu.memref_slice %arg8[%add3A_1158, %dma_start3A_1164] : memref<128x64xf32, #tpu.memory_space<vmem>> -> memref<1x64xf32, #tpu.memory_space<vmem>>
      %dma_start3A_1166 = tpu.memref_squeeze %dma_start3A_1165 : memref<1x64xf32, #tpu.memory_space<vmem>> -> memref<64xf32, #tpu.memory_space<vmem>>
      %dma_start3A_1167 = arith.constant 0 : i32
      %dma_start3A_1168 = tpu.memref_slice %arg4[%reduce_max3A_1156, %dma_start3A_1167] : memref<85536x64xf32, #tpu.memory_space<hbm>> -> memref<1x64xf32, #tpu.memory_space<hbm>>
      %dma_start3A_1169 = tpu.memref_squeeze %dma_start3A_1168 : memref<1x64xf32, #tpu.memory_space<hbm>> -> memref<64xf32, #tpu.memory_space<hbm>>
      tpu.enqueue_dma source(%dma_start3A_1169 : memref<64xf32, #tpu.memory_space<hbm>>) target(%dma_start3A_1166 : memref<64xf32, #tpu.memory_space<vmem>>) target_semaphore(%arg9 : memref<!tpu.dma_semaphore, #tpu.memory_space<semaphore_mem>>)
    }
    %scan3A_998 = arith.constant 16 : i32
    %get3A_999 = arith.constant 112 : index
    %get3A_1000 = tpu.vector_load %arg6[%get3A_999] {strides = array<i32>} : memref<128xi32, #tpu.memory_space<vmem>>, vector<16xi32>,
    %get3A_1001 = arith.constant 0 : i32
    %get3A_1002 = arith.index_cast %get3A_1001 : i32 to index
    %get3A_1003 = arith.constant 112 : index
    %get3A_1004 = tpu.vector_load %arg7[%get3A_1002, %get3A_1003] {strides = array<i32>} : memref<16x128xi32, #tpu.memory_space<vmem>>, vector<16xi32>,
    %mul3A_1005 = arith.constant 32768 : i32
    %mul3A_1006 = vector.broadcast %mul3A_1005 : i32 to vector<16xi32>
    %mul3A_1007 = arith.muli %get3A_1004, %mul3A_1006 : vector<16xi32>
    %add3A_1008 = arith.addi %get3A_1000, %mul3A_1007 : vector<16xi32>
    %get3A_1009 = arith.constant 1 : i32
    %get3A_1010 = arith.index_cast %get3A_1009 : i32 to index
    %get3A_1011 = arith.constant 112 : index
    %get3A_1012 = tpu.vector_load %arg7[%get3A_1010, %get3A_1011] {strides = array<i32>} : memref<16x128xi32, #tpu.memory_space<vmem>>, vector<16xi32>,
    %mul3A_1013 = arith.constant 16384 : i32
    %mul3A_1014 = vector.broadcast %mul3A_1013 : i32 to vector<16xi32>
    %mul3A_1015 = arith.muli %get3A_1012, %mul3A_1014 : vector<16xi32>
    %add3A_1016 = arith.addi %add3A_1008, %mul3A_1015 : vector<16xi32>
    %get3A_1017 = arith.constant 2 : i32
    %get3A_1018 = arith.index_cast %get3A_1017 : i32 to index
    %get3A_1019 = arith.constant 112 : index
    %get3A_1020 = tpu.vector_load %arg7[%get3A_1018, %get3A_1019] {strides = array<i32>} : memref<16x128xi32, #tpu.memory_space<vmem>>, vector<16xi32>,
    %mul3A_1021 = arith.constant 8192 : i32
    %mul3A_1022 = vector.broadcast %mul3A_1021 : i32 to vector<16xi32>
    %mul3A_1023 = arith.muli %get3A_1020, %mul3A_1022 : vector<16xi32>
    %add3A_1024 = arith.addi %add3A_1016, %mul3A_1023 : vector<16xi32>
    %get3A_1025 = arith.constant 3 : i32
    %get3A_1026 = arith.index_cast %get3A_1025 : i32 to index
    %get3A_1027 = arith.constant 112 : index
    %get3A_1028 = tpu.vector_load %arg7[%get3A_1026, %get3A_1027] {strides = array<i32>} : memref<16x128xi32, #tpu.memory_space<vmem>>, vector<16xi32>,
    %mul3A_1029 = arith.constant 4096 : i32
    %mul3A_1030 = vector.broadcast %mul3A_1029 : i32 to vector<16xi32>
    %mul3A_1031 = arith.muli %get3A_1028, %mul3A_1030 : vector<16xi32>
    %add3A_1032 = arith.addi %add3A_1024, %mul3A_1031 : vector<16xi32>
    %get3A_1033 = arith.constant 4 : i32
    %get3A_1034 = arith.index_cast %get3A_1033 : i32 to index
    %get3A_1035 = arith.constant 112 : index
    %get3A_1036 = tpu.vector_load %arg7[%get3A_1034, %get3A_1035] {strides = array<i32>} : memref<16x128xi32, #tpu.memory_space<vmem>>, vector<16xi32>,
    %mul3A_1037 = arith.constant 2048 : i32
    %mul3A_1038 = vector.broadcast %mul3A_1037 : i32 to vector<16xi32>
    %mul3A_1039 = arith.muli %get3A_1036, %mul3A_1038 : vector<16xi32>
    %add3A_1040 = arith.addi %add3A_1032, %mul3A_1039 : vector<16xi32>
    %get3A_1041 = arith.constant 5 : i32
    %get3A_1042 = arith.index_cast %get3A_1041 : i32 to index
    %get3A_1043 = arith.constant 112 : index
    %get3A_1044 = tpu.vector_load %arg7[%get3A_1042, %get3A_1043] {strides = array<i32>} : memref<16x128xi32, #tpu.memory_space<vmem>>, vector<16xi32>,
    %mul3A_1045 = arith.constant 1024 : i32
    %mul3A_1046 = vector.broadcast %mul3A_1045 : i32 to vector<16xi32>
    %mul3A_1047 = arith.muli %get3A_1044, %mul3A_1046 : vector<16xi32>
    %add3A_1048 = arith.addi %add3A_1040, %mul3A_1047 : vector<16xi32>
    %get3A_1049 = arith.constant 6 : i32
    %get3A_1050 = arith.index_cast %get3A_1049 : i32 to index
    %get3A_1051 = arith.constant 112 : index
    %get3A_1052 = tpu.vector_load %arg7[%get3A_1050, %get3A_1051] {strides = array<i32>} : memref<16x128xi32, #tpu.memory_space<vmem>>, vector<16xi32>,
    %mul3A_1053 = arith.constant 512 : i32
    %mul3A_1054 = vector.broadcast %mul3A_1053 : i32 to vector<16xi32>
    %mul3A_1055 = arith.muli %get3A_1052, %mul3A_1054 : vector<16xi32>
    %add3A_1056 = arith.addi %add3A_1048, %mul3A_1055 : vector<16xi32>
    %get3A_1057 = arith.constant 7 : i32
    %get3A_1058 = arith.index_cast %get3A_1057 : i32 to index
    %get3A_1059 = arith.constant 112 : index
    %get3A_1060 = tpu.vector_load %arg7[%get3A_1058, %get3A_1059] {strides = array<i32>} : memref<16x128xi32, #tpu.memory_space<vmem>>, vector<16xi32>,
    %mul3A_1061 = arith.constant 256 : i32
    %mul3A_1062 = vector.broadcast %mul3A_1061 : i32 to vector<16xi32>
    %mul3A_1063 = arith.muli %get3A_1060, %mul3A_1062 : vector<16xi32>
    %add3A_1064 = arith.addi %add3A_1056, %mul3A_1063 : vector<16xi32>
    %get3A_1065 = arith.constant 8 : i32
    %get3A_1066 = arith.index_cast %get3A_1065 : i32 to index
    %get3A_1067 = arith.constant 112 : index
    %get3A_1068 = tpu.vector_load %arg7[%get3A_1066, %get3A_1067] {strides = array<i32>} : memref<16x128xi32, #tpu.memory_space<vmem>>, vector<16xi32>,
    %mul3A_1069 = arith.constant 128 : i32
    %mul3A_1070 = vector.broadcast %mul3A_1069 : i32 to vector<16xi32>
    %mul3A_1071 = arith.muli %get3A_1068, %mul3A_1070 : vector<16xi32>
    %add3A_1072 = arith.addi %add3A_1064, %mul3A_1071 : vector<16xi32>
    %get3A_1073 = arith.constant 9 : i32
    %get3A_1074 = arith.index_cast %get3A_1073 : i32 to index
    %get3A_1075 = arith.constant 112 : index
    %get3A_1076 = tpu.vector_load %arg7[%get3A_1074, %get3A_1075] {strides = array<i32>} : memref<16x128xi32, #tpu.memory_space<vmem>>, vector<16xi32>,
    %mul3A_1077 = arith.constant 64 : i32
    %mul3A_1078 = vector.broadcast %mul3A_1077 : i32 to vector<16xi32>
    %mul3A_1079 = arith.muli %get3A_1076, %mul3A_1078 : vector<16xi32>
    %add3A_1080 = arith.addi %add3A_1072, %mul3A_1079 : vector<16xi32>
    %get3A_1081 = arith.constant 10 : i32
    %get3A_1082 = arith.index_cast %get3A_1081 : i32 to index
    %get3A_1083 = arith.constant 112 : index
    %get3A_1084 = tpu.vector_load %arg7[%get3A_1082, %get3A_1083] {strides = array<i32>} : memref<16x128xi32, #tpu.memory_space<vmem>>, vector<16xi32>,
    %mul3A_1085 = arith.constant 32 : i32
    %mul3A_1086 = vector.broadcast %mul3A_1085 : i32 to vector<16xi32>
    %mul3A_1087 = arith.muli %get3A_1084, %mul3A_1086 : vector<16xi32>
    %add3A_1088 = arith.addi %add3A_1080, %mul3A_1087 : vector<16xi32>
    %get3A_1089 = arith.constant 11 : i32
    %get3A_1090 = arith.index_cast %get3A_1089 : i32 to index
    %get3A_1091 = arith.constant 112 : index
    %get3A_1092 = tpu.vector_load %arg7[%get3A_1090, %get3A_1091] {strides = array<i32>} : memref<16x128xi32, #tpu.memory_space<vmem>>, vector<16xi32>,
    %mul3A_1093 = arith.constant 16 : i32
    %mul3A_1094 = vector.broadcast %mul3A_1093 : i32 to vector<16xi32>
    %mul3A_1095 = arith.muli %get3A_1092, %mul3A_1094 : vector<16xi32>
    %add3A_1096 = arith.addi %add3A_1088, %mul3A_1095 : vector<16xi32>
    %get3A_1097 = arith.constant 12 : i32
    %get3A_1098 = arith.index_cast %get3A_1097 : i32 to index
    %get3A_1099 = arith.constant 112 : index
    %get3A_1100 = tpu.vector_load %arg7[%get3A_1098, %get3A_1099] {strides = array<i32>} : memref<16x128xi32, #tpu.memory_space<vmem>>, vector<16xi32>,
    %mul3A_1101 = arith.constant 8 : i32
    %mul3A_1102 = vector.broadcast %mul3A_1101 : i32 to vector<16xi32>
    %mul3A_1103 = arith.muli %get3A_1100, %mul3A_1102 : vector<16xi32>
    %add3A_1104 = arith.addi %add3A_1096, %mul3A_1103 : vector<16xi32>
    %get3A_1105 = arith.constant 13 : i32
    %get3A_1106 = arith.index_cast %get3A_1105 : i32 to index
    %get3A_1107 = arith.constant 112 : index
    %get3A_1108 = tpu.vector_load %arg7[%get3A_1106, %get3A_1107] {strides = array<i32>} : memref<16x128xi32, #tpu.memory_space<vmem>>, vector<16xi32>,
    %mul3A_1109 = arith.constant 4 : i32
    %mul3A_1110 = vector.broadcast %mul3A_1109 : i32 to vector<16xi32>
    %mul3A_1111 = arith.muli %get3A_1108, %mul3A_1110 : vector<16xi32>
    %add3A_1112 = arith.addi %add3A_1104, %mul3A_1111 : vector<16xi32>
    %get3A_1113 = arith.constant 14 : i32
    %get3A_1114 = arith.index_cast %get3A_1113 : i32 to index
    %get3A_1115 = arith.constant 112 : index
    %get3A_1116 = tpu.vector_load %arg7[%get3A_1114, %get3A_1115] {strides = array<i32>} : memref<16x128xi32, #tpu.memory_space<vmem>>, vector<16xi32>,
    %mul3A_1117 = arith.constant 2 : i32
    %mul3A_1118 = vector.broadcast %mul3A_1117 : i32 to vector<16xi32>
    %mul3A_1119 = arith.muli %get3A_1116, %mul3A_1118 : vector<16xi32>
    %add3A_1120 = arith.addi %add3A_1112, %mul3A_1119 : vector<16xi32>
    %get3A_1121 = arith.constant 15 : i32
    %get3A_1122 = arith.index_cast %get3A_1121 : i32 to index
    %get3A_1123 = arith.constant 112 : index
    %get3A_1124 = tpu.vector_load %arg7[%get3A_1122, %get3A_1123] {strides = array<i32>} : memref<16x128xi32, #tpu.memory_space<vmem>>, vector<16xi32>,
    %mul3A_1125 = arith.constant 1 : i32
    %mul3A_1126 = vector.broadcast %mul3A_1125 : i32 to vector<16xi32>
    %mul3A_1127 = arith.muli %get3A_1124, %mul3A_1126 : vector<16xi32>
    %add3A_1128 = arith.addi %add3A_1120, %mul3A_1127 : vector<16xi32>
    %ge3A_1129 = arith.constant 85536 : i32
    %ge3A_1130 = vector.broadcast %ge3A_1129 : i32 to vector<16xi32>
    %ge3A_1131 = arith.cmpi sge, %add3A_1128, %ge3A_1130 : vector<16xi32>
    %sub3A_1132 = arith.constant 85536 : i32
    %sub3A_1133 = vector.broadcast %sub3A_1132 : i32 to vector<16xi32>
    %sub3A_1134 = arith.subi %add3A_1128, %sub3A_1133 : vector<16xi32>
    %select_n3A_1135 = arith.select %ge3A_1131, %sub3A_1134, %add3A_1128 : vector<16xi1>, vector<16xi32>
    %scan3A_1136 = arith.constant 0 : i32
    %scan3A_1137 = arith.constant 0 : i32
    %scan3A_1138 = arith.constant 16 : i32
    %scan3A_1139 = arith.addi %scan3A_1137, %scan3A_1138 : i32
    %scan3A_1140 = arith.constant 1 : i32
    scf.for %scan3A_1147 = %scan3A_1137 to %scan3A_1139 step %scan3A_1140  : i32 {
      %eq3A = vector.broadcast %scan3A_1147 : i32 to vector<16xi32>
      %eq3A_1148 = arith.cmpi eq, %iota3A, %eq3A : vector<16xi32>
      %jit3A = arith.constant 0 : i32
      %broadcast_in_dim3A = vector.broadcast %jit3A : i32 to vector<16xi32>
      %select_n3A_1149 = arith.select %eq3A_1148, %select_n3A_1135, %broadcast_in_dim3A : vector<16xi1>, vector<16xi32>
      %reduce_max3A = arith.constant true
      %reduce_max3A_1150 = vector.broadcast %reduce_max3A : i1 to vector<16xi1>
      %reduce_max3A_1151 = arith.constant -2147483648 : i32
      %reduce_max3A_1152 = vector.broadcast %reduce_max3A_1151 : i32 to vector<16xi32>
      %reduce_max3A_1153 = arith.xori %select_n3A_1149, %reduce_max3A_1152 : vector<16xi32>
      %reduce_max3A_1154 = tpu.scan <max>, %reduce_max3A_1153 masked %reduce_max3A_1150 : vector<16xi32>, vector<16xi1> -> vector<16xi32>
      %reduce_max3A_1155 = arith.xori %reduce_max3A_1154, %reduce_max3A_1152 : vector<16xi32>
      %reduce_max3A_1156 = vector.extract %reduce_max3A_1155[15] : i32 from vector<16xi32>
      %add3A_1157 = arith.constant 112 : i32
      %add3A_1158 = arith.addi %add3A_1157, %scan3A_1147 : i32
      %dma_start3A = arith.constant 0 : i32
      %dma_start3A_1159 = tpu.memref_slice %arg8[%add3A_1158, %dma_start3A] : memref<128x64xf32, #tpu.memory_space<vmem>> -> memref<1x64xf32, #tpu.memory_space<vmem>>
      %dma_start3A_1160 = tpu.memref_squeeze %dma_start3A_1159 : memref<1x64xf32, #tpu.memory_space<vmem>> -> memref<64xf32, #tpu.memory_space<vmem>>
      %dma_start3A_1161 = arith.constant 0 : i32
      %dma_start3A_1162 = tpu.memref_slice %arg4[%reduce_max3A_1156, %dma_start3A_1161] : memref<85536x64xf32, #tpu.memory_space<hbm>> -> memref<1x64xf32, #tpu.memory_space<hbm>>
      %dma_start3A_1163 = tpu.memref_squeeze %dma_start3A_1162 : memref<1x64xf32, #tpu.memory_space<hbm>> -> memref<64xf32, #tpu.memory_space<hbm>>
      %dma_start3A_1164 = arith.constant 0 : i32
      %dma_start3A_1165 = tpu.memref_slice %arg8[%add3A_1158, %dma_start3A_1164] : memref<128x64xf32, #tpu.memory_space<vmem>> -> memref<1x64xf32, #tpu.memory_space<vmem>>
      %dma_start3A_1166 = tpu.memref_squeeze %dma_start3A_1165 : memref<1x64xf32, #tpu.memory_space<vmem>> -> memref<64xf32, #tpu.memory_space<vmem>>
      %dma_start3A_1167 = arith.constant 0 : i32
      %dma_start3A_1168 = tpu.memref_slice %arg4[%reduce_max3A_1156, %dma_start3A_1167] : memref<85536x64xf32, #tpu.memory_space<hbm>> -> memref<1x64xf32, #tpu.memory_space<hbm>>
      %dma_start3A_1169 = tpu.memref_squeeze %dma_start3A_1168 : memref<1x64xf32, #tpu.memory_space<hbm>> -> memref<64xf32, #tpu.memory_space<hbm>>
      tpu.enqueue_dma source(%dma_start3A_1169 : memref<64xf32, #tpu.memory_space<hbm>>) target(%dma_start3A_1166 : memref<64xf32, #tpu.memory_space<vmem>>) target_semaphore(%arg9 : memref<!tpu.dma_semaphore, #tpu.memory_space<semaphore_mem>>)
    }
    %scan3A_1141 = arith.constant 16 : i32
    %dma_wait3A = arith.constant 0 : i32
    %dma_wait3A_1142 = arith.constant 0 : i32
    %dma_wait3A_1143 = tpu.memref_slice %arg4[%dma_wait3A, %dma_wait3A_1142] : memref<85536x64xf32, #tpu.memory_space<hbm>> -> memref<128x64xf32, #tpu.memory_space<hbm>>
    %dma_wait3A_1144 = arith.constant 0 : i32
    %dma_wait3A_1145 = arith.constant 0 : i32
    %dma_wait3A_1146 = tpu.memref_slice %arg4[%dma_wait3A_1144, %dma_wait3A_1145] : memref<85536x64xf32, #tpu.memory_space<hbm>> -> memref<128x64xf32, #tpu.memory_space<hbm>>
    tpu.wait_dma2 semaphore(%arg9 : memref<!tpu.dma_semaphore, #tpu.memory_space<semaphore_mem>>) src(%dma_wait3A_1146 : memref<128x64xf32, #tpu.memory_space<hbm>>) dst(%arg8 : memref<128x64xf32, #tpu.memory_space<vmem>>)
    "tpu.region"() ({
      %run_scoped3A = tpu.sem_alloc : memref<!tpu.dma_semaphore, #tpu.memory_space<semaphore_mem>>
      %dma_start3A = arith.constant 0 : i32
      %dma_start3A_1147 = tpu.memref_slice %arg5[%mul3A_2, %dma_start3A] : memref<4096x64xf32, #tpu.memory_space<hbm>> -> memref<128x64xf32, #tpu.memory_space<hbm>>
      %dma_start3A_1148 = arith.constant 0 : i32
      %dma_start3A_1149 = tpu.memref_slice %arg5[%mul3A_2, %dma_start3A_1148] : memref<4096x64xf32, #tpu.memory_space<hbm>> -> memref<128x64xf32, #tpu.memory_space<hbm>>
      tpu.enqueue_dma source(%arg8 : memref<128x64xf32, #tpu.memory_space<vmem>>) target(%dma_start3A_1149 : memref<128x64xf32, #tpu.memory_space<hbm>>) target_semaphore(%run_scoped3A : memref<!tpu.dma_semaphore, #tpu.memory_space<semaphore_mem>>)
      %dma_wait3A_1150 = arith.constant 0 : i32
      %dma_wait3A_1151 = tpu.memref_slice %arg5[%mul3A_2, %dma_wait3A_1150] : memref<4096x64xf32, #tpu.memory_space<hbm>> -> memref<128x64xf32, #tpu.memory_space<hbm>>
      %dma_wait3A_1152 = arith.constant 0 : i32
      %dma_wait3A_1153 = tpu.memref_slice %arg5[%mul3A_2, %dma_wait3A_1152] : memref<4096x64xf32, #tpu.memory_space<hbm>> -> memref<128x64xf32, #tpu.memory_space<hbm>>
      tpu.wait_dma2 semaphore(%run_scoped3A : memref<!tpu.dma_semaphore, #tpu.memory_space<semaphore_mem>>) src(%arg8 : memref<128x64xf32, #tpu.memory_space<vmem>>) dst(%dma_wait3A_1153 : memref<128x64xf32, #tpu.memory_space<hbm>>)
      tpu.yield
    }) : () -> ()
    return
  }
}

</mosaic_0001>

<sc_bundles>
// kernel: kernel.3.cloned.1.call-start
scs
__scs_entry_jumppad:
0x0: {  	(pc) =	sbr.rel $0x88, $3  }
0x1: {  	(tag) =	ssettag $0x0;
	lr =	simm.s32 $0x1  }
0x2: {  	[smem:$0x3F9E] =	sst lr;
	_ =	strace $0xD0000000  }
0x3: {  	_ = 	snop  }
0x4: {  	_ = 	snop  }
0x5: {  	_ = 	snop  }
0x6: {  	_ = 	snop  }
0x7: {  	_ = 	snop  }
__scs_overlays_trampoline_lowered:
0x8: {  	[smem:$0x3FAD] =	sst s0  }
0x9: {  	[smem:$0x3FAE] =	sst s1  }
0xa: {  	[smem:$0x3FAF] =	sst s2  }
0xb: {  	[smem:$0x3FB0] =	sst s3  }
0xc: {  	[smem:$0x3FB1] =	sst s4  }
0xd: {  	[smem:$0x3FB2] =	sst s5  }
0xe: {  	[smem:$0x3FB3] =	sst s6  }
0xf: {  	[smem:$0x3FB4] =	sst s7  }
0x10: {  	[smem:$0x3FB5] =	sst s8  }
0x11: {  	[smem:$0x3FB6] =	sst s9;
	s0 =	simm.s32 @!p0 $0x0  }
0x12: {  	s1 =	sld [smem:$0x3F9C];
	s0 =	simm.s32 @p0 $0x1  }
0x13: {  	[smem:$0x3FB7] =	sst s0;
	s0 =	simm.s32 @!p1 $0x0  }
0x14: {  	s2 =	sld [smem:$0x3F9B];
	s0 =	simm.s32 @p1 $0x1  }
0x15: {  	[smem:$0x3FB8] =	sst s0;
	s0 =	simm.s32 @!p2 $0x0  }
0x16: {  	s3 =	sld [smem:$0x3FDB];
	s0 =	simm.s32 @p2 $0x1  }
0x17: {  	s4 =	simm.s32 $0x1BF5;
	[smem:$0x3FBA] =	sst s0  }
0x18: {  	s0 =	sld [smem:$0x3F9D];
	_ =	swait.ge [sflag:s4], $0x0  }
0x19: {  	s7 =	sld [smem:$0x3F9E]  }
0x1a: {  	s8 =	sadd.s32 $0xFFFFE003, lr  }
0x1b: {  	s9 =	sadd.s32 $0xFFFFFEF7, lr;
	s5 =	simm.s32 $0xFFFFFFFF;
	p2 =	slt.u32 s8, $0xFFFFF086  }
0x1c: {  	p1 =	slt.u32 s9, $0xF7A;
	s5 =	simm.s32 @!p2 $0x0  }
0x1d: {  	s5 =	simm.s32 @p1 $0x1;
	p0 =	seq.s32 s7, s2  }
0x1e: {  	s7 =	smul.u32 @!p0 $0xF7A, s2;
	p2 =	seq.s32 @!p0 s5, $0x0  }
0x1f: {  	s9 =	smul.u32 $0xF7A, s1;
	s8 =	simm.s32 @!p0 $0x1BF5;
	p2 =	por !p2, p0  }
0x20: {  	[sflag:s8] =	ssyncset.s32 @!p0 $0xFFFFF086;
	s6 =	sadd.s32 @!p0 s3, s7;
	s7 =	simm.s32 @!p0 $0x108  }
0x21: {  	s3 =	sadd.s32 s3, s9;
	s6 =	sadd.s32 @!p0 $0x88, s6;
	s7 =	simm.s32 @p2 $0x1082  }
0x22: {  	[simem:s7], [sflag:s8] =	dma.local @!p0 [hbm:s6], $0xF7A  }
0x23: {  	s9 =	sor.u32 $0xD0000000, s2;
	s6 =	simm.s32 $0x108;
	_ =	swait.ge @!p0 [sflag:s8], $0x0  }
0x24: {  	s3 =	sadd.s32 $0x88, s3;
	s6 =	simm.s32 @!p1 $0x1082;
	[sflag:s4] =	ssyncset.s32 $0xFFFFF086  }
0x25: {  	[simem:s6], [sflag:s4] =	dma.local [hbm:s3], $0xF7A  }
0x26: {  	[smem:$0x3F9E] =	sst s1;
	(tag) =	ssettag s2;
	_ =	strace s9  }
0x27: {  	s1 =	sld [smem:$0x3FAE]  }
0x28: {  	s2 =	sld [smem:$0x3FAF]  }
0x29: {  	s4 =	sld [smem:$0x3FB1]  }
0x2a: {  	p0 =	seq.s32 s5, $0x0;
	s5 =	sld [smem:$0x3FB2]  }
0x2b: {  	s6 =	sld [smem:$0x3FB3]  }
0x2c: {  	s7 =	sld [smem:$0x3FB4]  }
0x2d: {  	s3 =	simm.s32 $0x108;
	s8 =	sld [smem:$0x3FB5]  }
0x2e: {  	s3 =	simm.s32 @!p0 $0x1082;
	s9 =	sld [smem:$0x3FB6]  }
0x2f: {  	lr =	sadd.s32 s0, s3;
	s0 =	sld [smem:$0x3FAD]  }
0x30: {  	s3 =	sld [smem:$0x3FB0]  }
0x31: {  	[smem:$0x3FB9] =	sst s10  }
0x32: {  	s10 =	sld [smem:$0x3FB7];
	_ =	sdelay $0x3  }
0x33: {  	p0 =	seq.s32 s10, $0x1;
	s10 =	sld [smem:$0x3FB9];
	_ =	sdelay $0x3  }
0x34: {  	[smem:$0x3FB9] =	sst s10  }
0x35: {  	s10 =	sld [smem:$0x3FB8];
	_ =	sdelay $0x3  }
0x36: {  	p1 =	seq.s32 s10, $0x1;
	s10 =	sld [smem:$0x3FB9];
	_ =	sdelay $0x3  }
0x37: {  	[smem:$0x3FB9] =	sst s10  }
0x38: {  	s10 =	sld [smem:$0x3FBA]  }
0x39: {  	_ = 	snop;
	(pc) =	sbr.ind lr, $3  }
0x3a: {  	_ = 	snop  }
0x3b: {  	_ = 	snop  }
0x3c: {  	p2 =	seq.s32 s10, $0x1;
	s10 =	sld [smem:$0x3FB9]  }
0x3d: {  	_ =	shalt  }
0x3e: {  	_ =	shalt  }
0x3f: {  	_ =	shalt  }
0x40: {  	_ =	shalt  }
0x41: {  	_ =	shalt  }
0x42: {  	_ =	shalt  }
0x43: {  	_ =	shalt  }
0x44: {  	_ =	shalt  }
0x45: {  	_ =	shalt  }
0x46: {  	_ =	shalt  }
0x47: {  	_ =	shalt  }
0x48: {  	_ =	shalt  }
0x49: {  	_ =	shalt  }
0x4a: {  	_ =	shalt  }
0x4b: {  	_ =	shalt  }
0x4c: {  	_ =	shalt  }
0x4d: {  	_ =	shalt  }
0x4e: {  	_ =	shalt  }
0x4f: {  	_ =	shalt  }
0x50: {  	_ =	shalt  }
0x51: {  	_ =	shalt  }
0x52: {  	_ =	shalt  }
0x53: {  	_ =	shalt  }
0x54: {  	_ =	shalt  }
0x55: {  	_ =	shalt  }
0x56: {  	_ =	shalt  }
0x57: {  	_ =	shalt  }
0x58: {  	_ =	shalt  }
0x59: {  	_ =	shalt  }
0x5a: {  	_ =	shalt  }
0x5b: {  	_ =	shalt  }
0x5c: {  	_ =	shalt  }
0x5d: {  	_ =	shalt  }
0x5e: {  	_ =	shalt  }
0x5f: {  	_ =	shalt  }
0x60: {  	_ =	shalt  }
0x61: {  	_ =	shalt  }
0x62: {  	_ =	shalt  }
0x63: {  	_ =	shalt  }
0x64: {  	_ =	shalt  }
0x65: {  	_ =	shalt  }
0x66: {  	_ =	shalt  }
0x67: {  	_ =	shalt  }
0x68: {  	_ =	shalt  }
0x69: {  	_ =	shalt  }
0x6a: {  	_ =	shalt  }
0x6b: {  	_ =	shalt  }
0x6c: {  	_ =	shalt  }
0x6d: {  	_ =	shalt  }
0x6e: {  	_ =	shalt  }
0x6f: {  	_ =	shalt  }
0x70: {  	_ =	shalt  }
0x71: {  	_ =	shalt  }
0x72: {  	_ =	shalt  }
0x73: {  	_ =	shalt  }
0x74: {  	_ =	shalt  }
0x75: {  	_ =	shalt  }
0x76: {  	_ =	shalt  }
0x77: {  	_ =	shalt  }
0x78: {  	_ =	shalt  }
0x79: {  	_ =	shalt  }
0x7a: {  	_ =	shalt  }
0x7b: {  	_ =	shalt  }
0x7c: {  	_ =	shalt  }
0x7d: {  	_ =	shalt  }
0x7e: {  	_ =	shalt  }
0x7f: {  	_ =	shalt  }
0x80: {  	_ =	shalt  }
0x81: {  	_ =	shalt  }
0x82: {  	_ =	shalt  }
0x83: {  	_ =	shalt  }
0x84: {  	_ =	shalt  }
0x85: {  	_ =	shalt  }
0x86: {  	_ =	shalt  }
0x87: {  	_ =	shalt  }
.Lfunc_end0:
.L_simem_size_0:
called_computation_lowered:
.L_overlay_start_0:
0x88: {  	s2 =	sld [smem:$0x3FD9]  }
0x89: {  	s3 =	sld [smem:$0x3FFE];
	_ =	sdelay $0x1  }
0x8a: {  	s1 =	srdreg.scid  }
0x8b: {  	s0 =	sand.u32 $0x1, s1  }
0x8c: {  	s17 =	sshll.u32 s0, $0xA;
	s2 =	sadd.s32 s3, s2  }
0x8d: {  	s2 =	sadd.s32 s2, s17  }
0x8e: {  	[smem:$0x3FC5] =	sst s2  }
0x8f: {  	_ = 	snop  }
0x90: {  	s2 =	sld [smem:$0x3FC9]  }
0x91: {  	s18 =	sld [smem:$0x3FC8];
	(tm) =	ssettm $0x1  }
0x92: {  	s4 =	sld [smem:$0x3FFB];
	_ =	sdelay $0x3  }
0x93: {  	_ =	strace s4  }
0x94: {  	s4 =	sld [smem:$0x3FFC];
	_ =	sdelay $0x3  }
0x95: {  	_ =	strace s4  }
0x96: {  	s4 =	sld [smem:$0x3FFD];
	_ =	sdelay $0x3  }
0x97: {  	_ =	strace s4  }
0x98: {  	_ =	strace $0x8FFFFFFF  }
0x99: {  	s19 =	sld [smem:$0x3FDB];
	_ =	sdelay $0x1  }
0x9a: {  	s5 =	simm.s32 $_scs_section_size  }
0x9b: {  	s6 =	simm.s32 $_size__tile_overlayer_lowered;
	s7 =	simm.s32 $_tile_overlayer_lowered  }
0x9c: {  	s22 =	simm.s32 $0x1BFF;
	s21 =	sshll.u32 s7, $0x1;
	s4 =	sadd.s32 s5, s19  }
0x9d: {  	s8 =	simm.s32 $0x0;
	s20 =	sshll.u32 s6, $0x1;
	s6 =	sadd.s32 s21, s4  }
0x9e: {  	[timem:s8], [sflag:s22] =	dma.local [hbm:s6], s20  }
0x9f: {  	_ =	swait.ge [sflag:s22], s20  }
0xa0: {  	s5 =	ssub.s32 $0x0, s20;
	[sflag:s22] =	ssyncset.done $0x0  }
0xa1: {  	[sflag:s22] =	ssyncadd.s32 s5;
	_ =	sdelay $0x1  }
0xa2: {  	s23 =	simm.s32 $0x1B8B  }
0xa3: {  	_ =	swait.ge [sflag:s23], $0x1  }
0xa4: {  	[sflag:s23] =	ssyncset.done $0x0  }
0xa5: {  	s25 =	simm.s32 $0x1B8E;
	s24 =	sld [smem:$0x3FFE];
	[sflag:s23] =	ssyncadd.s32 $0xFFFFFFFF  }
0xa6: {  	s26 =	simm.s32 $execute0_lowered;
	[smem:$0x3FD2] =	sst s25  }
0xa7: {  	s6 =	sshll.u32 s26, $0x1;
	_ =	strace $0x80000046;
	[dreg:$0x1] =	wrdreg $0xFFFFFFFF  }
0xa8: {  	s28 =	simm.s32 $_size_execute0_lowered;
	s4 =	sadd.s32 s4, s6;
	[dreg:$0x0] =	wrdreg $0x0  }
0xa9: {  	s6 =	sshll.u32 s28, $0x1;
	[dreg:$0x2] =	wrdreg s4  }
0xaa: {  	[dreg:$0x3] =	wrdreg s6  }
0xab: {  	[dreg:$0x4] =	wrdreg $0xC0  }
0xac: {  	_ =	task [dreg:s8], $0x5FFFF  }
0xad: {  	[dreg:$0x1] =	wrdreg $0xFFFFFFFF  }
0xae: {  	[dreg:$0x0] =	wrdreg $0x60  }
0xaf: {  	[dreg:$0x2] =	wrdreg s2  }
0xb0: {  	[dreg:$0x3] =	wrdreg s18  }
0xb1: {  	[dreg:$0x4] =	wrdreg s24  }
0xb2: {  	[dreg:$0x5] =	wrdreg $0x9  }
0xb3: {  	_ =	task.clear_ibuf [dreg:s8], $0x6FFFF;
	_ =	strace $0x90000046  }
0xb4: {  	s29 =	simm.s32 $0x9;
	_ =	strace $0x80000048  }
0xb5: {  	_ =	swait.ge [sflag:s29], $0x1  }
0xb6: {  	[sflag:s29] =	ssyncadd.s32 $0xFFFFFFFF  }
0xb7: {  	_ =	strace $0x90000048  }
0xb8: {  	_ =	sfence  }
0xb9: {  	s30 =	sld [smem:$0x0];
	_ =	sdelay $0x2  }
0xba: {  	s31 =	sshll.u32 s1, $0xD;
	s1 =	sshrl.u32 s1, $0x2  }
0xbb: {  	s3 =	sand.u32 $0x4000, s31;
	s1 =	sadd.s32 s1, s30  }
0xbc: {  	s0 =	sor.u32 s3, s0;
	s1 =	sshll.u32 s1, $0x11  }
0xbd: {  	s0 =	sor.u32 s1, s0  }
0xbe: {  	s0 =	sadd.s32 $0x8F2B, s0  }
0xbf: {  	[sflag:s0] =	ssyncadd.remote.s32 $0x1  }
0xc0: {  	_ =	sfence.sel $0xFFFF  }
0xc1: {  	[dreg:$0x0] =	wrdreg $0xFFFFFFFF;
	(pc) =	sbr.abs _section_cstart, $3  }
0xc2: {  	[dreg:$0x1] =	wrdreg $0xFFFFFFFF  }
0xc3: {  	_ =	task.clear_ibuf [dreg:s8], $0x2FFFF;
	_ =	strace $0x9FFFFFFF  }
0xc4: {  	(tm) =	ssettm $0x7FFFFFFF  }
0xc5: {  	_ =	shalt  }
tec
execute0_lowered:
.L_overlay_start_1:
0x0: {  	(tag) =	ssettag $0x1  }
0x1: {  	s4 =	rddreg [dreg:$0x0]  }
0x2: {  	s5 =	rddreg [dreg:$0x1]  }
0x3: {  	s6 =	rddreg [dreg:$0x2]  }
0x4: {  	s0 =	rddreg [dreg:$0x3]  }
0x5: {  	s3 =	srdreg.scid;
	s2 =	simm.s32 $0x0;
	s1 =	stileid.u32  }
0x6: {  	s11 =	simm.s32 $0x80;
	s12 =	simm.s32 $0x1;
	s13 =	simm.s32 $0x880  }
0x7: {  	s14 =	simm.s32 $0x0;
	s7 =	sand.u32 $0x1, s3;
	[smem:$0x7FF] =	sst s2  }
0x8: {  	s30 =	sshll.u32 s1, $0x8;
	s3 =	sadd.s32 $0x400, s6;
	s8 =	sshll.u32 s7, $0x7  }
0x9: {  	_ =	strace $0x80000047;
	s7 =	ssub.s32 $0x2, s7;
	s8 =	sor.u32 s8, s30  }
0xa: {  	s31 =	sshrl.u32 s7, $0x1;
	s9 =	sshll.u32 s8, $0x4;
	s10 =	sshrl.u32 s8, $0x3  }
0xb: {  	s7 =	ssub.s32 s7, s31;
	s5 =	sadd.s32 s5, s8;
	s8 =	simm.s32 $0x2  }
0xc: {  	s6 =	sadd.s32 s9, s6;
	s4 =	sadd.s32 s4, s10;
	s7 =	smax.u32 s7, $0x1  }
0xd: {  	v0 =	vlaneseq.u32;
	s9 =	simm.s32 $0x400;
	s10 =	simm.s32 $0x8000;
	s6 =	sadd.s32 $0x14E600, s6  }
.LBB2_1:
0xe: {  	[tilespmem:s2], [sflag:$0x2] =	stream.linear.gather [hbm4b:s4+s2], $0x80, $0x38;
	[tilespmem:$0x4880] =	vst v63  }
0xf: {  	_ =	swait.ge [sflag:s8], $0x80  }
0x10: {  	[sflag:s8] =	ssyncset.done $0x0  }
0x11: {  	[sflag:s8] =	ssyncadd.s32 $0xFFFFFF80  }
0x12: {  	[tilespmem:s11], [sflag:$0x2] =	stream.strided.gather [hbm4b:s5+s9], $0x800, s10, s9, $0x38;
	[tilespmem:$0x4880] =	vst v63  }
0x13: {  	_ =	swait.ge [sflag:s8], $0x800  }
0x14: {  	[sflag:s8] =	ssyncset.done $0x0  }
0x15: {  	[sflag:s8] =	ssyncadd.s32 $0xFFFFF800  }
0x16: {  	v1 =	vld [tilespmem:$0x0]  }
0x17: {  	v2 =	vld [tilespmem:$0x80]  }
0x18: {  	v3 =	vld [tilespmem:$0x100]  }
0x19: {  	v4 =	vld [tilespmem:$0x180]  }
0x1a: {  	v5 =	vld [tilespmem:$0x200]  }
0x1b: {  	v6 =	vld [tilespmem:$0x280]  }
0x1c: {  	v7 =	vld [tilespmem:$0x300];
	v2 =	vshll.u32 v2, $0xF  }
0x1d: {  	v1 =	vadd.s32 v1, v2;
	v2 =	vshll.u32 v3, $0xE;
	v3 =	vld [tilespmem:$0x380]  }
0x1e: {  	v57 =	vld [tilespmem:$0x400];
	v1 =	vadd.s32 v2, v1;
	v2 =	vshll.u32 v4, $0xD  }
0x1f: {  	v58 =	vld [tilespmem:$0x480];
	v1 =	vadd.s32 v2, v1;
	v2 =	vshll.u32 v5, $0xC  }
0x20: {  	v59 =	vld [tilespmem:$0x500];
	v1 =	vadd.s32 v2, v1;
	v2 =	vshll.u32 v6, $0xB  }
0x21: {  	v60 =	vld [tilespmem:$0x580];
	v1 =	vadd.s32 v2, v1;
	v2 =	vshll.u32 v7, $0xA  }
0x22: {  	v1 =	vadd.s32 v2, v1;
	v2 =	vshll.u32 v3, $0x9;
	v3 =	vld [tilespmem:$0x600]  }
0x23: {  	v61 =	vld [tilespmem:$0x680];
	v1 =	vadd.s32 v2, v1;
	v2 =	vshll.u32 v57, $0x8  }
0x24: {  	v62 =	vld [tilespmem:$0x700];
	v1 =	vadd.s32 v2, v1;
	v2 =	vshll.u32 v58, $0x7  }
0x25: {  	v63 =	vld [tilespmem:$0x780];
	v1 =	vadd.s32 v2, v1;
	v2 =	vshll.u32 v59, $0x6  }
0x26: {  	v1 =	vadd.s32 v2, v1;
	v2 =	vshll.u32 v60, $0x5  }
0x27: {  	v1 =	vadd.s32 v2, v1;
	v2 =	vshll.u32 v3, $0x4;
	v3 =	vld [tilespmem:$0x800]  }
0x28: {  	v1 =	vadd.s32 v2, v1;
	v2 =	vshll.u32 v61, $0x3  }
0x29: {  	v1 =	vadd.s32 v2, v1;
	v2 =	vshll.u32 v62, $0x2  }
0x2a: {  	v1 =	vadd.s32 v2, v1;
	v2 =	vshll.u32 v63, $0x1  }
0x2b: {  	v1 =	vadd.s32 v2, v1  }
0x2c: {  	v1 =	vadd.s32 v3, v1  }
0x2d: {  	vm0 =	vgt.s32 v1, $0x14E1F;
	v2 =	vadd.s32 $0xFFFEB1E0, v1  }
0x2e: {  	v1 =	vsel vm0, v2, v1;
	v2 =	vmov s2  }
0x2f: {  	v1 =	vxor.u32 $0x80000000, v1;
	vm11 =	veq.s32 v2, v0  }
0x30: {  	v2 =	vnsel vm11, $0x80000000, v1  }
0x31: {  	(xrf0) =	vmax.scan.msk.u32 $0xffff, v2;
	_ =	sdelay $0x5  }
0x32: {  	v2, _, _ =	vpop (xrf0)  }
0x33: {  	(v2sf) =	vpush v2, $0xF  }
0x34: {  	s15 =	simm.s32 $0x1  }
0x35: {  	v2 =	vmov s15  }
0x36: {  	vm12 =	veq.s32 v2, v0  }
0x37: {  	s29 =	simm.s32 $0x2;
	v3 =	vnsel vm12, $0x80000000, v1  }
0x38: {  	s30 =	simm.s32 $0x3;
	v2 =	vmov s29;
	(xrf0) =	vmax.scan.msk.u32 $0xffff, v3  }
0x39: {  	vm13 =	veq.s32 v2, v0;
	v2 =	vmov s30  }
0x3a: {  	v3 =	vnsel vm13, $0x80000000, v1;
	vm14 =	veq.s32 v2, v0  }
0x3b: {  	(xrf0) =	vmax.scan.msk.u32 $0xffff, v3;
	v2 =	vnsel vm14, $0x80000000, v1  }
0x3c: {  	(xrf0) =	vmax.scan.msk.u32 $0xffff, v2;
	_ =	sdelay $0x1  }
0x3d: {  	s16 =	simm.s32 $0x4;
	v2, _, _ =	vpop (xrf0)  }
0x3e: {  	v3 =	vmov s16;
	(v2sf) =	vpush v2, $0xF;
	_ =	sdelay $0x1  }
0x3f: {  	v2, _, _ =	vpop (xrf0)  }
0x40: {  	vm15 =	veq.s32 v3, v0;
	v3, _, _ =	vpop (xrf0);
	s31 =	spop (v2sf);
	(v2sf) =	vpush v2, $0xF  }
0x41: {  	(v2sf) =	vpush v3, $0xF;
	_ =	sdelay $0x4  }
0x42: {  	s15 =	sshll.u32 s31, $0x4  }
0x43: {  	v2 =	vnsel vm15, $0x80000000, v1;
	s15 =	sand.u32 $0x1FFFFFF0, s15  }
0x44: {  	(xrf0) =	vmax.scan.msk.u32 $0xffff, v2;
	s15 =	sadd.s32 s3, s15  }
0x45: {  	[tilespmem:s13], [sflag:$0x1] =	stream.linear.gather [hbm4b:s15+s2], $0x80, $0x38;
	[tilespmem:$0x4880] =	vst v63  }
0x46: {  	s16 =	simm.s32 $0x5;
	s15 =	simm.s32 $0x880  }
.LBB2_2:
0x47: {  	v2 =	vmov s16;
	p0 =	sne.s32 s16, $0xF;
	s16 =	sadd.s32 $0x1, s16  }
.Ltmp0:
0x48: {  	vm0 =	veq.s32 v2, v0;
	s17 =	spop (v2sf);
	(pc) =	sbr.rel @p0 .LBB2_2-.Ltmp0, $4  }
0x49: {  	v3 =	vnsel vm0, $0x80000000, v1;
	s17 =	sshll.u32 s17, $0x4  }
0x4a: {  	(xrf0) =	vmax.scan.msk.u32 $0xffff, v3;
	v2, _, _ =	vpop (xrf0);
	s17 =	sand.u32 $0x1FFFFFF0, s17  }
0x4b: {  	s15 =	sadd.s32 $0x80, s15;
	(v2sf) =	vpush v2, $0xF;
	s17 =	sadd.s32 s3, s17  }
0x4c: {  	[tilespmem:s15], [sflag:$0x1] =	stream.linear.gather [hbm4b:s17+s2], $0x80, $0x38;
	[tilespmem:$0x4880] =	vst v63  }
0x4d: {  	_ =	sdelay $0x2  }
0x4e: {  	v1, _, _ =	vpop (xrf0)  }
0x4f: {  	s16 =	spop (v2sf);
	(v2sf) =	vpush v1, $0xF;
	_ =	sdelay $0x1  }
0x50: {  	s16 =	sshll.u32 s16, $0x4  }
0x51: {  	s16 =	sand.u32 $0x1FFFFFF0, s16  }
0x52: {  	s15 =	sadd.s32 $0x80, s15;
	s21 =	spop (v2sf);
	s16 =	sadd.s32 s3, s16  }
0x53: {  	[tilespmem:s15], [sflag:$0x1] =	stream.linear.gather [hbm4b:s16+s2], $0x80, $0x38;
	[tilespmem:$0x4880] =	vst v63  }
0x54: {  	s16 =	sshll.u32 s21, $0x4  }
0x55: {  	s16 =	sand.u32 $0x1FFFFFF0, s16  }
0x56: {  	s15 =	sadd.s32 $0x80, s15;
	s16 =	sadd.s32 s3, s16  }
0x57: {  	[tilespmem:s15], [sflag:$0x1] =	stream.linear.gather [hbm4b:s16+s2], $0x80, $0x38;
	[tilespmem:$0x4880] =	vst v63  }
0x58: {  	s22 =	spop (v2sf)  }
0x59: {  	s16 =	sshll.u32 s22, $0x4  }
0x5a: {  	s16 =	sand.u32 $0x1FFFFFF0, s16  }
0x5b: {  	s15 =	sadd.s32 $0x80, s15;
	s16 =	sadd.s32 s3, s16  }
0x5c: {  	[tilespmem:s15], [sflag:$0x1] =	stream.linear.gather [hbm4b:s16+s2], $0x80, $0x38;
	[tilespmem:$0x4880] =	vst v63  }
0x5d: {  	s23 =	spop (v2sf)  }
0x5e: {  	s16 =	sshll.u32 s23, $0x4  }
0x5f: {  	s16 =	sand.u32 $0x1FFFFFF0, s16  }
0x60: {  	s15 =	sadd.s32 $0x80, s15;
	s16 =	sadd.s32 s3, s16  }
0x61: {  	[tilespmem:s15], [sflag:$0x1] =	stream.linear.gather [hbm4b:s16+s2], $0x80, $0x38;
	[tilespmem:$0x4880] =	vst v63  }
0x62: {  	v1 =	vld [tilespmem:$0x10]  }
0x63: {  	v2 =	vld [tilespmem:$0x90]  }
0x64: {  	v3 =	vld [tilespmem:$0x110]  }
0x65: {  	v4 =	vld [tilespmem:$0x190]  }
0x66: {  	v5 =	vld [tilespmem:$0x210]  }
0x67: {  	v6 =	vld [tilespmem:$0x290]  }
0x68: {  	v7 =	vld [tilespmem:$0x310];
	v2 =	vshll.u32 v2, $0xF  }
0x69: {  	v1 =	vadd.s32 v1, v2;
	v2 =	vshll.u32 v3, $0xE;
	v3 =	vld [tilespmem:$0x390]  }
0x6a: {  	v57 =	vld [tilespmem:$0x410];
	v1 =	vadd.s32 v2, v1;
	v2 =	vshll.u32 v4, $0xD  }
0x6b: {  	v58 =	vld [tilespmem:$0x490];
	v1 =	vadd.s32 v2, v1;
	v2 =	vshll.u32 v5, $0xC  }
0x6c: {  	v59 =	vld [tilespmem:$0x510];
	v1 =	vadd.s32 v2, v1;
	v2 =	vshll.u32 v6, $0xB  }
0x6d: {  	v60 =	vld [tilespmem:$0x590];
	v1 =	vadd.s32 v2, v1;
	v2 =	vshll.u32 v7, $0xA  }
0x6e: {  	v1 =	vadd.s32 v2, v1;
	v2 =	vshll.u32 v3, $0x9;
	v3 =	vld [tilespmem:$0x610]  }
0x6f: {  	v61 =	vld [tilespmem:$0x690];
	v1 =	vadd.s32 v2, v1;
	v2 =	vshll.u32 v57, $0x8  }
0x70: {  	v62 =	vld [tilespmem:$0x710];
	v1 =	vadd.s32 v2, v1;
	v2 =	vshll.u32 v58, $0x7  }
0x71: {  	v63 =	vld [tilespmem:$0x790];
	v1 =	vadd.s32 v2, v1;
	v2 =	vshll.u32 v59, $0x6  }
0x72: {  	v1 =	vadd.s32 v2, v1;
	v2 =	vshll.u32 v60, $0x5  }
0x73: {  	v1 =	vadd.s32 v2, v1;
	v2 =	vshll.u32 v3, $0x4;
	v3 =	vld [tilespmem:$0x810]  }
0x74: {  	v1 =	vadd.s32 v2, v1;
	v2 =	vshll.u32 v61, $0x3  }
0x75: {  	v1 =	vadd.s32 v2, v1;
	v2 =	vshll.u32 v62, $0x2  }
0x76: {  	v1 =	vadd.s32 v2, v1;
	v2 =	vshll.u32 v63, $0x1  }
0x77: {  	v1 =	vadd.s32 v2, v1  }
0x78: {  	v1 =	vadd.s32 v3, v1  }
0x79: {  	s24 =	simm.s32 $0x0;
	vm0 =	vgt.s32 v1, $0x14E1F;
	v2 =	vadd.s32 $0xFFFEB1E0, v1  }
0x7a: {  	v1 =	vsel vm0, v2, v1;
	v2 =	vmov s24  }
0x7b: {  	v1 =	vxor.u32 $0x80000000, v1;
	vm11 =	veq.s32 v2, v0  }
0x7c: {  	v2 =	vnsel vm11, $0x80000000, v1  }
0x7d: {  	(xrf0) =	vmax.scan.msk.u32 $0xffff, v2;
	_ =	sdelay $0x5  }
0x7e: {  	v2, _, _ =	vpop (xrf0)  }
0x7f: {  	s25 =	simm.s32 $0x1;
	(v2sf) =	vpush v2, $0xF  }
0x80: {  	v2 =	vmov s25  }
0x81: {  	vm12 =	veq.s32 v2, v0  }
0x82: {  	s26 =	simm.s32 $0x2;
	v3 =	vnsel vm12, $0x80000000, v1  }
0x83: {  	s28 =	simm.s32 $0x3;
	v2 =	vmov s26;
	(xrf0) =	vmax.scan.msk.u32 $0xffff, v3  }
0x84: {  	vm13 =	veq.s32 v2, v0;
	v2 =	vmov s28  }
0x85: {  	v3 =	vnsel vm13, $0x80000000, v1;
	vm14 =	veq.s32 v2, v0  }
0x86: {  	(xrf0) =	vmax.scan.msk.u32 $0xffff, v3;
	v2 =	vnsel vm14, $0x80000000, v1  }
0x87: {  	(xrf0) =	vmax.scan.msk.u32 $0xffff, v2;
	_ =	sdelay $0x1  }
0x88: {  	s30 =	simm.s32 $0x4;
	v2, _, _ =	vpop (xrf0)  }
0x89: {  	v3 =	vmov s30;
	(v2sf) =	vpush v2, $0xF;
	_ =	sdelay $0x1  }
0x8a: {  	v2, _, _ =	vpop (xrf0)  }
0x8b: {  	vm15 =	veq.s32 v3, v0;
	(v2sf) =	vpush v2, $0xF;
	v3, _, _ =	vpop (xrf0)  }
0x8c: {  	s29 =	spop (v2sf);
	(v2sf) =	vpush v3, $0xF;
	_ =	sdelay $0x5  }
0x8d: {  	v2 =	vnsel vm15, $0x80000000, v1;
	s15 =	sshll.u32 s29, $0x4  }
0x8e: {  	(xrf0) =	vmax.scan.msk.u32 $0xffff, v2;
	s17 =	sand.u32 $0x1FFFFFF0, s15  }
0x8f: {  	s16 =	simm.s32 $0x5;
	s15 =	simm.s32 $0x1080;
	s31 =	sadd.s32 s3, s17  }
0x90: {  	[tilespmem:s15], [sflag:$0x1] =	stream.linear.gather [hbm4b:s31+s2], $0x80, $0x38;
	[tilespmem:$0x4880] =	vst v63  }
.LBB2_4:
0x91: {  	v2 =	vmov s16;
	p0 =	sne.s32 s16, $0xF;
	s16 =	sadd.s32 $0x1, s16  }
.Ltmp1:
0x92: {  	vm0 =	veq.s32 v2, v0;
	s17 =	spop (v2sf);
	(pc) =	sbr.rel @p0 .LBB2_4-.Ltmp1, $4  }
0x93: {  	v3 =	vnsel vm0, $0x80000000, v1;
	s17 =	sshll.u32 s17, $0x4  }
0x94: {  	(xrf0) =	vmax.scan.msk.u32 $0xffff, v3;
	v2, _, _ =	vpop (xrf0);
	s17 =	sand.u32 $0x1FFFFFF0, s17  }
0x95: {  	s15 =	sadd.s32 $0x80, s15;
	(v2sf) =	vpush v2, $0xF;
	s17 =	sadd.s32 s3, s17  }
0x96: {  	[tilespmem:s15], [sflag:$0x1] =	stream.linear.gather [hbm4b:s17+s2], $0x80, $0x38;
	[tilespmem:$0x4880] =	vst v63  }
0x97: {  	_ =	sdelay $0x2  }
0x98: {  	v1, _, _ =	vpop (xrf0)  }
0x99: {  	s16 =	spop (v2sf);
	(v2sf) =	vpush v1, $0xF;
	_ =	sdelay $0x1  }
0x9a: {  	s16 =	sshll.u32 s16, $0x4  }
0x9b: {  	s16 =	sand.u32 $0x1FFFFFF0, s16  }
0x9c: {  	s15 =	sadd.s32 $0x80, s15;
	s21 =	spop (v2sf);
	s16 =	sadd.s32 s3, s16  }
0x9d: {  	[tilespmem:s15], [sflag:$0x1] =	stream.linear.gather [hbm4b:s16+s2], $0x80, $0x38;
	[tilespmem:$0x4880] =	vst v63  }
0x9e: {  	s16 =	sshll.u32 s21, $0x4  }
0x9f: {  	s16 =	sand.u32 $0x1FFFFFF0, s16  }
0xa0: {  	s15 =	sadd.s32 $0x80, s15;
	s16 =	sadd.s32 s3, s16  }
0xa1: {  	[tilespmem:s15], [sflag:$0x1] =	stream.linear.gather [hbm4b:s16+s2], $0x80, $0x38;
	[tilespmem:$0x4880] =	vst v63  }
0xa2: {  	s22 =	spop (v2sf)  }
0xa3: {  	s16 =	sshll.u32 s22, $0x4  }
0xa4: {  	s16 =	sand.u32 $0x1FFFFFF0, s16  }
0xa5: {  	s15 =	sadd.s32 $0x80, s15;
	s16 =	sadd.s32 s3, s16  }
0xa6: {  	[tilespmem:s15], [sflag:$0x1] =	stream.linear.gather [hbm4b:s16+s2], $0x80, $0x38;
	[tilespmem:$0x4880] =	vst v63  }
0xa7: {  	s23 =	spop (v2sf)  }
0xa8: {  	s16 =	sshll.u32 s23, $0x4  }
0xa9: {  	s16 =	sand.u32 $0x1FFFFFF0, s16  }
0xaa: {  	s15 =	sadd.s32 $0x80, s15;
	s16 =	sadd.s32 s3, s16  }
0xab: {  	[tilespmem:s15], [sflag:$0x1] =	stream.linear.gather [hbm4b:s16+s2], $0x80, $0x38;
	[tilespmem:$0x4880] =	vst v63  }
0xac: {  	v1 =	vld [tilespmem:$0x20]  }
0xad: {  	v2 =	vld [tilespmem:$0xA0]  }
0xae: {  	v3 =	vld [tilespmem:$0x120]  }
0xaf: {  	v4 =	vld [tilespmem:$0x1A0]  }
0xb0: {  	v5 =	vld [tilespmem:$0x220]  }
0xb1: {  	v6 =	vld [tilespmem:$0x2A0]  }
0xb2: {  	v7 =	vld [tilespmem:$0x320];
	v2 =	vshll.u32 v2, $0xF  }
0xb3: {  	v1 =	vadd.s32 v1, v2;
	v2 =	vshll.u32 v3, $0xE;
	v3 =	vld [tilespmem:$0x3A0]  }
0xb4: {  	v57 =	vld [tilespmem:$0x420];
	v1 =	vadd.s32 v2, v1;
	v2 =	vshll.u32 v4, $0xD  }
0xb5: {  	v58 =	vld [tilespmem:$0x4A0];
	v1 =	vadd.s32 v2, v1;
	v2 =	vshll.u32 v5, $0xC  }
0xb6: {  	v59 =	vld [tilespmem:$0x520];
	v1 =	vadd.s32 v2, v1;
	v2 =	vshll.u32 v6, $0xB  }
0xb7: {  	v60 =	vld [tilespmem:$0x5A0];
	v1 =	vadd.s32 v2, v1;
	v2 =	vshll.u32 v7, $0xA  }
0xb8: {  	v1 =	vadd.s32 v2, v1;
	v2 =	vshll.u32 v3, $0x9;
	v3 =	vld [tilespmem:$0x620]  }
0xb9: {  	v61 =	vld [tilespmem:$0x6A0];
	v1 =	vadd.s32 v2, v1;
	v2 =	vshll.u32 v57, $0x8  }
0xba: {  	v62 =	vld [tilespmem:$0x720];
	v1 =	vadd.s32 v2, v1;
	v2 =	vshll.u32 v58, $0x7  }
0xbb: {  	v63 =	vld [tilespmem:$0x7A0];
	v1 =	vadd.s32 v2, v1;
	v2 =	vshll.u32 v59, $0x6  }
0xbc: {  	v1 =	vadd.s32 v2, v1;
	v2 =	vshll.u32 v60, $0x5  }
0xbd: {  	v1 =	vadd.s32 v2, v1;
	v2 =	vshll.u32 v3, $0x4;
	v3 =	vld [tilespmem:$0x820]  }
0xbe: {  	v1 =	vadd.s32 v2, v1;
	v2 =	vshll.u32 v61, $0x3  }
0xbf: {  	v1 =	vadd.s32 v2, v1;
	v2 =	vshll.u32 v62, $0x2  }
0xc0: {  	v1 =	vadd.s32 v2, v1;
	v2 =	vshll.u32 v63, $0x1  }
0xc1: {  	v1 =	vadd.s32 v2, v1  }
0xc2: {  	v1 =	vadd.s32 v3, v1  }
0xc3: {  	s24 =	simm.s32 $0x0;
	vm0 =	vgt.s32 v1, $0x14E1F;
	v2 =	vadd.s32 $0xFFFEB1E0, v1  }
0xc4: {  	v1 =	vsel vm0, v2, v1;
	v2 =	vmov s24  }
0xc5: {  	v1 =	vxor.u32 $0x80000000, v1;
	vm11 =	veq.s32 v2, v0  }
0xc6: {  	v2 =	vnsel vm11, $0x80000000, v1  }
0xc7: {  	(xrf0) =	vmax.scan.msk.u32 $0xffff, v2;
	_ =	sdelay $0x5  }
0xc8: {  	v2, _, _ =	vpop (xrf0)  }
0xc9: {  	s25 =	simm.s32 $0x1;
	(v2sf) =	vpush v2, $0xF  }
0xca: {  	v2 =	vmov s25  }
0xcb: {  	vm12 =	veq.s32 v2, v0  }
0xcc: {  	s26 =	simm.s32 $0x2;
	v3 =	vnsel vm12, $0x80000000, v1  }
0xcd: {  	s28 =	simm.s32 $0x3;
	v2 =	vmov s26;
	(xrf0) =	vmax.scan.msk.u32 $0xffff, v3  }
0xce: {  	vm13 =	veq.s32 v2, v0;
	v2 =	vmov s28  }
0xcf: {  	v3 =	vnsel vm13, $0x80000000, v1;
	vm14 =	veq.s32 v2, v0  }
0xd0: {  	(xrf0) =	vmax.scan.msk.u32 $0xffff, v3;
	v2 =	vnsel vm14, $0x80000000, v1  }
0xd1: {  	(xrf0) =	vmax.scan.msk.u32 $0xffff, v2;
	_ =	sdelay $0x1  }
0xd2: {  	s30 =	simm.s32 $0x4;
	v2, _, _ =	vpop (xrf0)  }
0xd3: {  	v3 =	vmov s30;
	(v2sf) =	vpush v2, $0xF;
	_ =	sdelay $0x1  }
0xd4: {  	v2, _, _ =	vpop (xrf0)  }
0xd5: {  	vm15 =	veq.s32 v3, v0;
	(v2sf) =	vpush v2, $0xF;
	v3, _, _ =	vpop (xrf0)  }
0xd6: {  	s29 =	spop (v2sf);
	(v2sf) =	vpush v3, $0xF;
	_ =	sdelay $0x5  }
0xd7: {  	v2 =	vnsel vm15, $0x80000000, v1;
	s15 =	sshll.u32 s29, $0x4  }
0xd8: {  	(xrf0) =	vmax.scan.msk.u32 $0xffff, v2;
	s17 =	sand.u32 $0x1FFFFFF0, s15  }
0xd9: {  	s16 =	simm.s32 $0x5;
	s15 =	simm.s32 $0x1880;
	s31 =	sadd.s32 s3, s17  }
0xda: {  	[tilespmem:s15], [sflag:$0x1] =	stream.linear.gather [hbm4b:s31+s2], $0x80, $0x38;
	[tilespmem:$0x4880] =	vst v63  }
.LBB2_6:
0xdb: {  	v2 =	vmov s16;
	p0 =	sne.s32 s16, $0xF;
	s16 =	sadd.s32 $0x1, s16  }
.Ltmp2:
0xdc: {  	vm0 =	veq.s32 v2, v0;
	s17 =	spop (v2sf);
	(pc) =	sbr.rel @p0 .LBB2_6-.Ltmp2, $4  }
0xdd: {  	v3 =	vnsel vm0, $0x80000000, v1;
	s17 =	sshll.u32 s17, $0x4  }
0xde: {  	(xrf0) =	vmax.scan.msk.u32 $0xffff, v3;
	v2, _, _ =	vpop (xrf0);
	s17 =	sand.u32 $0x1FFFFFF0, s17  }
0xdf: {  	s15 =	sadd.s32 $0x80, s15;
	(v2sf) =	vpush v2, $0xF;
	s17 =	sadd.s32 s3, s17  }
0xe0: {  	[tilespmem:s15], [sflag:$0x1] =	stream.linear.gather [hbm4b:s17+s2], $0x80, $0x38;
	[tilespmem:$0x4880] =	vst v63  }
0xe1: {  	_ =	sdelay $0x2  }
0xe2: {  	v1, _, _ =	vpop (xrf0)  }
0xe3: {  	s16 =	spop (v2sf);
	(v2sf) =	vpush v1, $0xF;
	_ =	sdelay $0x1  }
0xe4: {  	s16 =	sshll.u32 s16, $0x4  }
0xe5: {  	s16 =	sand.u32 $0x1FFFFFF0, s16  }
0xe6: {  	s15 =	sadd.s32 $0x80, s15;
	s21 =	spop (v2sf);
	s16 =	sadd.s32 s3, s16  }
0xe7: {  	[tilespmem:s15], [sflag:$0x1] =	stream.linear.gather [hbm4b:s16+s2], $0x80, $0x38;
	[tilespmem:$0x4880] =	vst v63  }
0xe8: {  	s16 =	sshll.u32 s21, $0x4  }
0xe9: {  	s16 =	sand.u32 $0x1FFFFFF0, s16  }
0xea: {  	s15 =	sadd.s32 $0x80, s15;
	s16 =	sadd.s32 s3, s16  }
0xeb: {  	[tilespmem:s15], [sflag:$0x1] =	stream.linear.gather [hbm4b:s16+s2], $0x80, $0x38;
	[tilespmem:$0x4880] =	vst v63  }
0xec: {  	s22 =	spop (v2sf)  }
0xed: {  	s16 =	sshll.u32 s22, $0x4  }
0xee: {  	s16 =	sand.u32 $0x1FFFFFF0, s16  }
0xef: {  	s15 =	sadd.s32 $0x80, s15;
	s16 =	sadd.s32 s3, s16  }
0xf0: {  	[tilespmem:s15], [sflag:$0x1] =	stream.linear.gather [hbm4b:s16+s2], $0x80, $0x38;
	[tilespmem:$0x4880] =	vst v63  }
0xf1: {  	s23 =	spop (v2sf)  }
0xf2: {  	s16 =	sshll.u32 s23, $0x4  }
0xf3: {  	s16 =	sand.u32 $0x1FFFFFF0, s16  }
0xf4: {  	s15 =	sadd.s32 $0x80, s15;
	s16 =	sadd.s32 s3, s16  }
0xf5: {  	[tilespmem:s15], [sflag:$0x1] =	stream.linear.gather [hbm4b:s16+s2], $0x80, $0x38;
	[tilespmem:$0x4880] =	vst v63  }
0xf6: {  	v1 =	vld [tilespmem:$0x30]  }
0xf7: {  	v2 =	vld [tilespmem:$0xB0]  }
0xf8: {  	v3 =	vld [tilespmem:$0x130]  }
0xf9: {  	v4 =	vld [tilespmem:$0x1B0]  }
0xfa: {  	v5 =	vld [tilespmem:$0x230]  }
0xfb: {  	v6 =	vld [tilespmem:$0x2B0]  }
0xfc: {  	v7 =	vld [tilespmem:$0x330];
	v2 =	vshll.u32 v2, $0xF  }
0xfd: {  	v1 =	vadd.s32 v1, v2;
	v2 =	vshll.u32 v3, $0xE;
	v3 =	vld [tilespmem:$0x3B0]  }
0xfe: {  	v57 =	vld [tilespmem:$0x430];
	v1 =	vadd.s32 v2, v1;
	v2 =	vshll.u32 v4, $0xD  }
0xff: {  	v58 =	vld [tilespmem:$0x4B0];
	v1 =	vadd.s32 v2, v1;
	v2 =	vshll.u32 v5, $0xC  }
0x100: {  	v59 =	vld [tilespmem:$0x530];
	v1 =	vadd.s32 v2, v1;
	v2 =	vshll.u32 v6, $0xB  }
0x101: {  	v60 =	vld [tilespmem:$0x5B0];
	v1 =	vadd.s32 v2, v1;
	v2 =	vshll.u32 v7, $0xA  }
0x102: {  	v1 =	vadd.s32 v2, v1;
	v2 =	vshll.u32 v3, $0x9;
	v3 =	vld [tilespmem:$0x630]  }
0x103: {  	v61 =	vld [tilespmem:$0x6B0];
	v1 =	vadd.s32 v2, v1;
	v2 =	vshll.u32 v57, $0x8  }
0x104: {  	v62 =	vld [tilespmem:$0x730];
	v1 =	vadd.s32 v2, v1;
	v2 =	vshll.u32 v58, $0x7  }
0x105: {  	v63 =	vld [tilespmem:$0x7B0];
	v1 =	vadd.s32 v2, v1;
	v2 =	vshll.u32 v59, $0x6  }
0x106: {  	v1 =	vadd.s32 v2, v1;
	v2 =	vshll.u32 v60, $0x5  }
0x107: {  	v1 =	vadd.s32 v2, v1;
	v2 =	vshll.u32 v3, $0x4;
	v3 =	vld [tilespmem:$0x830]  }
0x108: {  	v1 =	vadd.s32 v2, v1;
	v2 =	vshll.u32 v61, $0x3  }
0x109: {  	v1 =	vadd.s32 v2, v1;
	v2 =	vshll.u32 v62, $0x2  }
0x10a: {  	v1 =	vadd.s32 v2, v1;
	v2 =	vshll.u32 v63, $0x1  }
0x10b: {  	v1 =	vadd.s32 v2, v1  }
0x10c: {  	v1 =	vadd.s32 v3, v1  }
0x10d: {  	s24 =	simm.s32 $0x0;
	vm0 =	vgt.s32 v1, $0x14E1F;
	v2 =	vadd.s32 $0xFFFEB1E0, v1  }
0x10e: {  	v1 =	vsel vm0, v2, v1;
	v2 =	vmov s24  }
0x10f: {  	v1 =	vxor.u32 $0x80000000, v1;
	vm11 =	veq.s32 v2, v0  }
0x110: {  	v2 =	vnsel vm11, $0x80000000, v1  }
0x111: {  	(xrf0) =	vmax.scan.msk.u32 $0xffff, v2;
	_ =	sdelay $0x5  }
0x112: {  	v2, _, _ =	vpop (xrf0)  }
0x113: {  	s25 =	simm.s32 $0x1;
	(v2sf) =	vpush v2, $0xF  }
0x114: {  	v2 =	vmov s25  }
0x115: {  	vm12 =	veq.s32 v2, v0  }
0x116: {  	s26 =	simm.s32 $0x2;
	v3 =	vnsel vm12, $0x80000000, v1  }
0x117: {  	s28 =	simm.s32 $0x3;
	v2 =	vmov s26;
	(xrf0) =	vmax.scan.msk.u32 $0xffff, v3  }
0x118: {  	vm13 =	veq.s32 v2, v0;
	v2 =	vmov s28  }
0x119: {  	v3 =	vnsel vm13, $0x80000000, v1;
	vm14 =	veq.s32 v2, v0  }
0x11a: {  	(xrf0) =	vmax.scan.msk.u32 $0xffff, v3;
	v2 =	vnsel vm14, $0x80000000, v1  }
0x11b: {  	(xrf0) =	vmax.scan.msk.u32 $0xffff, v2;
	_ =	sdelay $0x1  }
0x11c: {  	s30 =	simm.s32 $0x4;
	v2, _, _ =	vpop (xrf0)  }
0x11d: {  	v3 =	vmov s30;
	(v2sf) =	vpush v2, $0xF;
	_ =	sdelay $0x1  }
0x11e: {  	v2, _, _ =	vpop (xrf0)  }
0x11f: {  	vm15 =	veq.s32 v3, v0;
	(v2sf) =	vpush v2, $0xF;
	v3, _, _ =	vpop (xrf0)  }
0x120: {  	s29 =	spop (v2sf);
	(v2sf) =	vpush v3, $0xF;
	_ =	sdelay $0x5  }
0x121: {  	v2 =	vnsel vm15, $0x80000000, v1;
	s15 =	sshll.u32 s29, $0x4  }
0x122: {  	(xrf0) =	vmax.scan.msk.u32 $0xffff, v2;
	s17 =	sand.u32 $0x1FFFFFF0, s15  }
0x123: {  	s16 =	simm.s32 $0x5;
	s15 =	simm.s32 $0x2080;
	s31 =	sadd.s32 s3, s17  }
0x124: {  	[tilespmem:s15], [sflag:$0x1] =	stream.linear.gather [hbm4b:s31+s2], $0x80, $0x38;
	[tilespmem:$0x4880] =	vst v63  }
.LBB2_8:
0x125: {  	v2 =	vmov s16;
	p0 =	sne.s32 s16, $0xF;
	s16 =	sadd.s32 $0x1, s16  }
.Ltmp3:
0x126: {  	vm0 =	veq.s32 v2, v0;
	s17 =	spop (v2sf);
	(pc) =	sbr.rel @p0 .LBB2_8-.Ltmp3, $4  }
0x127: {  	v3 =	vnsel vm0, $0x80000000, v1;
	s17 =	sshll.u32 s17, $0x4  }
0x128: {  	(xrf0) =	vmax.scan.msk.u32 $0xffff, v3;
	v2, _, _ =	vpop (xrf0);
	s17 =	sand.u32 $0x1FFFFFF0, s17  }
0x129: {  	s15 =	sadd.s32 $0x80, s15;
	(v2sf) =	vpush v2, $0xF;
	s17 =	sadd.s32 s3, s17  }
0x12a: {  	[tilespmem:s15], [sflag:$0x1] =	stream.linear.gather [hbm4b:s17+s2], $0x80, $0x38;
	[tilespmem:$0x4880] =	vst v63  }
0x12b: {  	_ =	sdelay $0x2  }
0x12c: {  	v1, _, _ =	vpop (xrf0)  }
0x12d: {  	s16 =	spop (v2sf);
	(v2sf) =	vpush v1, $0xF;
	_ =	sdelay $0x1  }
0x12e: {  	s16 =	sshll.u32 s16, $0x4  }
0x12f: {  	s16 =	sand.u32 $0x1FFFFFF0, s16  }
0x130: {  	s15 =	sadd.s32 $0x80, s15;
	s21 =	spop (v2sf);
	s16 =	sadd.s32 s3, s16  }
0x131: {  	[tilespmem:s15], [sflag:$0x1] =	stream.linear.gather [hbm4b:s16+s2], $0x80, $0x38;
	[tilespmem:$0x4880] =	vst v63  }
0x132: {  	s16 =	sshll.u32 s21, $0x4  }
0x133: {  	s16 =	sand.u32 $0x1FFFFFF0, s16  }
0x134: {  	s15 =	sadd.s32 $0x80, s15;
	s16 =	sadd.s32 s3, s16  }
0x135: {  	[tilespmem:s15], [sflag:$0x1] =	stream.linear.gather [hbm4b:s16+s2], $0x80, $0x38;
	[tilespmem:$0x4880] =	vst v63  }
0x136: {  	s22 =	spop (v2sf)  }
0x137: {  	s16 =	sshll.u32 s22, $0x4  }
0x138: {  	s16 =	sand.u32 $0x1FFFFFF0, s16  }
0x139: {  	s15 =	sadd.s32 $0x80, s15;
	s16 =	sadd.s32 s3, s16  }
0x13a: {  	[tilespmem:s15], [sflag:$0x1] =	stream.linear.gather [hbm4b:s16+s2], $0x80, $0x38;
	[tilespmem:$0x4880] =	vst v63  }
0x13b: {  	s23 =	spop (v2sf)  }
0x13c: {  	s16 =	sshll.u32 s23, $0x4  }
0x13d: {  	s16 =	sand.u32 $0x1FFFFFF0, s16  }
0x13e: {  	s15 =	sadd.s32 $0x80, s15;
	s16 =	sadd.s32 s3, s16  }
0x13f: {  	[tilespmem:s15], [sflag:$0x1] =	stream.linear.gather [hbm4b:s16+s2], $0x80, $0x38;
	[tilespmem:$0x4880] =	vst v63  }
0x140: {  	v1 =	vld [tilespmem:$0x40]  }
0x141: {  	v2 =	vld [tilespmem:$0xC0]  }
0x142: {  	v3 =	vld [tilespmem:$0x140]  }
0x143: {  	v4 =	vld [tilespmem:$0x1C0]  }
0x144: {  	v5 =	vld [tilespmem:$0x240]  }
0x145: {  	v6 =	vld [tilespmem:$0x2C0]  }
0x146: {  	v7 =	vld [tilespmem:$0x340];
	v2 =	vshll.u32 v2, $0xF  }
0x147: {  	v1 =	vadd.s32 v1, v2;
	v2 =	vshll.u32 v3, $0xE;
	v3 =	vld [tilespmem:$0x3C0]  }
0x148: {  	v57 =	vld [tilespmem:$0x440];
	v1 =	vadd.s32 v2, v1;
	v2 =	vshll.u32 v4, $0xD  }
0x149: {  	v58 =	vld [tilespmem:$0x4C0];
	v1 =	vadd.s32 v2, v1;
	v2 =	vshll.u32 v5, $0xC  }
0x14a: {  	v59 =	vld [tilespmem:$0x540];
	v1 =	vadd.s32 v2, v1;
	v2 =	vshll.u32 v6, $0xB  }
0x14b: {  	v60 =	vld [tilespmem:$0x5C0];
	v1 =	vadd.s32 v2, v1;
	v2 =	vshll.u32 v7, $0xA  }
0x14c: {  	v1 =	vadd.s32 v2, v1;
	v2 =	vshll.u32 v3, $0x9;
	v3 =	vld [tilespmem:$0x640]  }
0x14d: {  	v61 =	vld [tilespmem:$0x6C0];
	v1 =	vadd.s32 v2, v1;
	v2 =	vshll.u32 v57, $0x8  }
0x14e: {  	v62 =	vld [tilespmem:$0x740];
	v1 =	vadd.s32 v2, v1;
	v2 =	vshll.u32 v58, $0x7  }
0x14f: {  	v63 =	vld [tilespmem:$0x7C0];
	v1 =	vadd.s32 v2, v1;
	v2 =	vshll.u32 v59, $0x6  }
0x150: {  	v1 =	vadd.s32 v2, v1;
	v2 =	vshll.u32 v60, $0x5  }
0x151: {  	v1 =	vadd.s32 v2, v1;
	v2 =	vshll.u32 v3, $0x4;
	v3 =	vld [tilespmem:$0x840]  }
0x152: {  	v1 =	vadd.s32 v2, v1;
	v2 =	vshll.u32 v61, $0x3  }
0x153: {  	v1 =	vadd.s32 v2, v1;
	v2 =	vshll.u32 v62, $0x2  }
0x154: {  	v1 =	vadd.s32 v2, v1;
	v2 =	vshll.u32 v63, $0x1  }
0x155: {  	v1 =	vadd.s32 v2, v1  }
0x156: {  	v1 =	vadd.s32 v3, v1  }
0x157: {  	s24 =	simm.s32 $0x0;
	vm0 =	vgt.s32 v1, $0x14E1F;
	v2 =	vadd.s32 $0xFFFEB1E0, v1  }
0x158: {  	v1 =	vsel vm0, v2, v1;
	v2 =	vmov s24  }
0x159: {  	v1 =	vxor.u32 $0x80000000, v1;
	vm11 =	veq.s32 v2, v0  }
0x15a: {  	v2 =	vnsel vm11, $0x80000000, v1  }
0x15b: {  	(xrf0) =	vmax.scan.msk.u32 $0xffff, v2;
	_ =	sdelay $0x5  }
0x15c: {  	v2, _, _ =	vpop (xrf0)  }
0x15d: {  	s25 =	simm.s32 $0x1;
	(v2sf) =	vpush v2, $0xF  }
0x15e: {  	v2 =	vmov s25  }
0x15f: {  	vm12 =	veq.s32 v2, v0  }
0x160: {  	s26 =	simm.s32 $0x2;
	v3 =	vnsel vm12, $0x80000000, v1  }
0x161: {  	s28 =	simm.s32 $0x3;
	v2 =	vmov s26;
	(xrf0) =	vmax.scan.msk.u32 $0xffff, v3  }
0x162: {  	vm13 =	veq.s32 v2, v0;
	v2 =	vmov s28  }
0x163: {  	v3 =	vnsel vm13, $0x80000000, v1;
	vm14 =	veq.s32 v2, v0  }
0x164: {  	(xrf0) =	vmax.scan.msk.u32 $0xffff, v3;
	v2 =	vnsel vm14, $0x80000000, v1  }
0x165: {  	(xrf0) =	vmax.scan.msk.u32 $0xffff, v2;
	_ =	sdelay $0x1  }
0x166: {  	s30 =	simm.s32 $0x4;
	v2, _, _ =	vpop (xrf0)  }
0x167: {  	v3 =	vmov s30;
	(v2sf) =	vpush v2, $0xF;
	_ =	sdelay $0x1  }
0x168: {  	v2, _, _ =	vpop (xrf0)  }
0x169: {  	vm15 =	veq.s32 v3, v0;
	(v2sf) =	vpush v2, $0xF;
	v3, _, _ =	vpop (xrf0)  }
0x16a: {  	s29 =	spop (v2sf);
	(v2sf) =	vpush v3, $0xF;
	_ =	sdelay $0x5  }
0x16b: {  	v2 =	vnsel vm15, $0x80000000, v1;
	s15 =	sshll.u32 s29, $0x4  }
0x16c: {  	(xrf0) =	vmax.scan.msk.u32 $0xffff, v2;
	s17 =	sand.u32 $0x1FFFFFF0, s15  }
0x16d: {  	s16 =	simm.s32 $0x5;
	s15 =	simm.s32 $0x2880;
	s31 =	sadd.s32 s3, s17  }
0x16e: {  	[tilespmem:s15], [sflag:$0x1] =	stream.linear.gather [hbm4b:s31+s2], $0x80, $0x38;
	[tilespmem:$0x4880] =	vst v63  }
.LBB2_10:
0x16f: {  	v2 =	vmov s16;
	p0 =	sne.s32 s16, $0xF;
	s16 =	sadd.s32 $0x1, s16  }
.Ltmp4:
0x170: {  	vm0 =	veq.s32 v2, v0;
	s17 =	spop (v2sf);
	(pc) =	sbr.rel @p0 .LBB2_10-.Ltmp4, $4  }
0x171: {  	v3 =	vnsel vm0, $0x80000000, v1;
	s17 =	sshll.u32 s17, $0x4  }
0x172: {  	(xrf0) =	vmax.scan.msk.u32 $0xffff, v3;
	v2, _, _ =	vpop (xrf0);
	s17 =	sand.u32 $0x1FFFFFF0, s17  }
0x173: {  	s15 =	sadd.s32 $0x80, s15;
	(v2sf) =	vpush v2, $0xF;
	s17 =	sadd.s32 s3, s17  }
0x174: {  	[tilespmem:s15], [sflag:$0x1] =	stream.linear.gather [hbm4b:s17+s2], $0x80, $0x38;
	[tilespmem:$0x4880] =	vst v63  }
0x175: {  	_ =	sdelay $0x2  }
0x176: {  	v1, _, _ =	vpop (xrf0)  }
0x177: {  	s16 =	spop (v2sf);
	(v2sf) =	vpush v1, $0xF;
	_ =	sdelay $0x1  }
0x178: {  	s16 =	sshll.u32 s16, $0x4  }
0x179: {  	s16 =	sand.u32 $0x1FFFFFF0, s16  }
0x17a: {  	s15 =	sadd.s32 $0x80, s15;
	s21 =	spop (v2sf);
	s16 =	sadd.s32 s3, s16  }
0x17b: {  	[tilespmem:s15], [sflag:$0x1] =	stream.linear.gather [hbm4b:s16+s2], $0x80, $0x38;
	[tilespmem:$0x4880] =	vst v63  }
0x17c: {  	s16 =	sshll.u32 s21, $0x4  }
0x17d: {  	s16 =	sand.u32 $0x1FFFFFF0, s16  }
0x17e: {  	s15 =	sadd.s32 $0x80, s15;
	s16 =	sadd.s32 s3, s16  }
0x17f: {  	[tilespmem:s15], [sflag:$0x1] =	stream.linear.gather [hbm4b:s16+s2], $0x80, $0x38;
	[tilespmem:$0x4880] =	vst v63  }
0x180: {  	s22 =	spop (v2sf)  }
0x181: {  	s16 =	sshll.u32 s22, $0x4  }
0x182: {  	s16 =	sand.u32 $0x1FFFFFF0, s16  }
0x183: {  	s15 =	sadd.s32 $0x80, s15;
	s16 =	sadd.s32 s3, s16  }
0x184: {  	[tilespmem:s15], [sflag:$0x1] =	stream.linear.gather [hbm4b:s16+s2], $0x80, $0x38;
	[tilespmem:$0x4880] =	vst v63  }
0x185: {  	s23 =	spop (v2sf)  }
0x186: {  	s16 =	sshll.u32 s23, $0x4  }
0x187: {  	s16 =	sand.u32 $0x1FFFFFF0, s16  }
0x188: {  	s15 =	sadd.s32 $0x80, s15;
	s16 =	sadd.s32 s3, s16  }
0x189: {  	[tilespmem:s15], [sflag:$0x1] =	stream.linear.gather [hbm4b:s16+s2], $0x80, $0x38;
	[tilespmem:$0x4880] =	vst v63  }
0x18a: {  	v1 =	vld [tilespmem:$0x50]  }
0x18b: {  	v2 =	vld [tilespmem:$0xD0]  }
0x18c: {  	v3 =	vld [tilespmem:$0x150]  }
0x18d: {  	v4 =	vld [tilespmem:$0x1D0]  }
0x18e: {  	v5 =	vld [tilespmem:$0x250]  }
0x18f: {  	v6 =	vld [tilespmem:$0x2D0]  }
0x190: {  	v7 =	vld [tilespmem:$0x350];
	v2 =	vshll.u32 v2, $0xF  }
0x191: {  	v1 =	vadd.s32 v1, v2;
	v2 =	vshll.u32 v3, $0xE;
	v3 =	vld [tilespmem:$0x3D0]  }
0x192: {  	v57 =	vld [tilespmem:$0x450];
	v1 =	vadd.s32 v2, v1;
	v2 =	vshll.u32 v4, $0xD  }
0x193: {  	v58 =	vld [tilespmem:$0x4D0];
	v1 =	vadd.s32 v2, v1;
	v2 =	vshll.u32 v5, $0xC  }
0x194: {  	v59 =	vld [tilespmem:$0x550];
	v1 =	vadd.s32 v2, v1;
	v2 =	vshll.u32 v6, $0xB  }
0x195: {  	v60 =	vld [tilespmem:$0x5D0];
	v1 =	vadd.s32 v2, v1;
	v2 =	vshll.u32 v7, $0xA  }
0x196: {  	v1 =	vadd.s32 v2, v1;
	v2 =	vshll.u32 v3, $0x9;
	v3 =	vld [tilespmem:$0x650]  }
0x197: {  	v61 =	vld [tilespmem:$0x6D0];
	v1 =	vadd.s32 v2, v1;
	v2 =	vshll.u32 v57, $0x8  }
0x198: {  	v62 =	vld [tilespmem:$0x750];
	v1 =	vadd.s32 v2, v1;
	v2 =	vshll.u32 v58, $0x7  }
0x199: {  	v63 =	vld [tilespmem:$0x7D0];
	v1 =	vadd.s32 v2, v1;
	v2 =	vshll.u32 v59, $0x6  }
0x19a: {  	v1 =	vadd.s32 v2, v1;
	v2 =	vshll.u32 v60, $0x5  }
0x19b: {  	v1 =	vadd.s32 v2, v1;
	v2 =	vshll.u32 v3, $0x4;
	v3 =	vld [tilespmem:$0x850]  }
0x19c: {  	v1 =	vadd.s32 v2, v1;
	v2 =	vshll.u32 v61, $0x3  }
0x19d: {  	v1 =	vadd.s32 v2, v1;
	v2 =	vshll.u32 v62, $0x2  }
0x19e: {  	v1 =	vadd.s32 v2, v1;
	v2 =	vshll.u32 v63, $0x1  }
0x19f: {  	v1 =	vadd.s32 v2, v1  }
0x1a0: {  	v1 =	vadd.s32 v3, v1  }
0x1a1: {  	s24 =	simm.s32 $0x0;
	vm0 =	vgt.s32 v1, $0x14E1F;
	v2 =	vadd.s32 $0xFFFEB1E0, v1  }
0x1a2: {  	v1 =	vsel vm0, v2, v1;
	v2 =	vmov s24  }
0x1a3: {  	v1 =	vxor.u32 $0x80000000, v1;
	vm11 =	veq.s32 v2, v0  }
0x1a4: {  	v2 =	vnsel vm11, $0x80000000, v1  }
0x1a5: {  	(xrf0) =	vmax.scan.msk.u32 $0xffff, v2;
	_ =	sdelay $0x5  }
0x1a6: {  	v2, _, _ =	vpop (xrf0)  }
0x1a7: {  	s25 =	simm.s32 $0x1;
	(v2sf) =	vpush v2, $0xF  }
0x1a8: {  	v2 =	vmov s25  }
0x1a9: {  	vm12 =	veq.s32 v2, v0  }
0x1aa: {  	s26 =	simm.s32 $0x2;
	v3 =	vnsel vm12, $0x80000000, v1  }
0x1ab: {  	s28 =	simm.s32 $0x3;
	v2 =	vmov s26;
	(xrf0) =	vmax.scan.msk.u32 $0xffff, v3  }
0x1ac: {  	vm13 =	veq.s32 v2, v0;
	v2 =	vmov s28  }
0x1ad: {  	v3 =	vnsel vm13, $0x80000000, v1;
	vm14 =	veq.s32 v2, v0  }
0x1ae: {  	(xrf0) =	vmax.scan.msk.u32 $0xffff, v3;
	v2 =	vnsel vm14, $0x80000000, v1  }
0x1af: {  	(xrf0) =	vmax.scan.msk.u32 $0xffff, v2;
	_ =	sdelay $0x1  }
0x1b0: {  	s30 =	simm.s32 $0x4;
	v2, _, _ =	vpop (xrf0)  }
0x1b1: {  	v3 =	vmov s30;
	(v2sf) =	vpush v2, $0xF;
	_ =	sdelay $0x1  }
0x1b2: {  	v2, _, _ =	vpop (xrf0)  }
0x1b3: {  	vm15 =	veq.s32 v3, v0;
	(v2sf) =	vpush v2, $0xF;
	v3, _, _ =	vpop (xrf0)  }
0x1b4: {  	s29 =	spop (v2sf);
	(v2sf) =	vpush v3, $0xF;
	_ =	sdelay $0x5  }
0x1b5: {  	v2 =	vnsel vm15, $0x80000000, v1;
	s15 =	sshll.u32 s29, $0x4  }
0x1b6: {  	(xrf0) =	vmax.scan.msk.u32 $0xffff, v2;
	s17 =	sand.u32 $0x1FFFFFF0, s15  }
0x1b7: {  	s16 =	simm.s32 $0x5;
	s15 =	simm.s32 $0x3080;
	s31 =	sadd.s32 s3, s17  }
0x1b8: {  	[tilespmem:s15], [sflag:$0x1] =	stream.linear.gather [hbm4b:s31+s2], $0x80, $0x38;
	[tilespmem:$0x4880] =	vst v63  }
.LBB2_12:
0x1b9: {  	v2 =	vmov s16;
	p0 =	sne.s32 s16, $0xF;
	s16 =	sadd.s32 $0x1, s16  }
.Ltmp5:
0x1ba: {  	vm0 =	veq.s32 v2, v0;
	s17 =	spop (v2sf);
	(pc) =	sbr.rel @p0 .LBB2_12-.Ltmp5, $4  }
0x1bb: {  	v3 =	vnsel vm0, $0x80000000, v1;
	s17 =	sshll.u32 s17, $0x4  }
0x1bc: {  	(xrf0) =	vmax.scan.msk.u32 $0xffff, v3;
	v2, _, _ =	vpop (xrf0);
	s17 =	sand.u32 $0x1FFFFFF0, s17  }
0x1bd: {  	s15 =	sadd.s32 $0x80, s15;
	(v2sf) =	vpush v2, $0xF;
	s17 =	sadd.s32 s3, s17  }
0x1be: {  	[tilespmem:s15], [sflag:$0x1] =	stream.linear.gather [hbm4b:s17+s2], $0x80, $0x38;
	[tilespmem:$0x4880] =	vst v63  }
0x1bf: {  	_ =	sdelay $0x2  }
0x1c0: {  	v1, _, _ =	vpop (xrf0)  }
0x1c1: {  	s16 =	spop (v2sf);
	(v2sf) =	vpush v1, $0xF;
	_ =	sdelay $0x1  }
0x1c2: {  	s16 =	sshll.u32 s16, $0x4  }
0x1c3: {  	s16 =	sand.u32 $0x1FFFFFF0, s16  }
0x1c4: {  	s15 =	sadd.s32 $0x80, s15;
	s21 =	spop (v2sf);
	s16 =	sadd.s32 s3, s16  }
0x1c5: {  	[tilespmem:s15], [sflag:$0x1] =	stream.linear.gather [hbm4b:s16+s2], $0x80, $0x38;
	[tilespmem:$0x4880] =	vst v63  }
0x1c6: {  	s16 =	sshll.u32 s21, $0x4  }
0x1c7: {  	s16 =	sand.u32 $0x1FFFFFF0, s16  }
0x1c8: {  	s15 =	sadd.s32 $0x80, s15;
	s16 =	sadd.s32 s3, s16  }
0x1c9: {  	[tilespmem:s15], [sflag:$0x1] =	stream.linear.gather [hbm4b:s16+s2], $0x80, $0x38;
	[tilespmem:$0x4880] =	vst v63  }
0x1ca: {  	s22 =	spop (v2sf)  }
0x1cb: {  	s16 =	sshll.u32 s22, $0x4  }
0x1cc: {  	s16 =	sand.u32 $0x1FFFFFF0, s16  }
0x1cd: {  	s15 =	sadd.s32 $0x80, s15;
	s16 =	sadd.s32 s3, s16  }
0x1ce: {  	[tilespmem:s15], [sflag:$0x1] =	stream.linear.gather [hbm4b:s16+s2], $0x80, $0x38;
	[tilespmem:$0x4880] =	vst v63  }
0x1cf: {  	s23 =	spop (v2sf)  }
0x1d0: {  	s16 =	sshll.u32 s23, $0x4  }
0x1d1: {  	s16 =	sand.u32 $0x1FFFFFF0, s16  }
0x1d2: {  	s15 =	sadd.s32 $0x80, s15;
	s16 =	sadd.s32 s3, s16  }
0x1d3: {  	[tilespmem:s15], [sflag:$0x1] =	stream.linear.gather [hbm4b:s16+s2], $0x80, $0x38;
	[tilespmem:$0x4880] =	vst v63  }
0x1d4: {  	v1 =	vld [tilespmem:$0x60]  }
0x1d5: {  	v2 =	vld [tilespmem:$0xE0]  }
0x1d6: {  	v3 =	vld [tilespmem:$0x160]  }
0x1d7: {  	v4 =	vld [tilespmem:$0x1E0]  }
0x1d8: {  	v5 =	vld [tilespmem:$0x260]  }
0x1d9: {  	v6 =	vld [tilespmem:$0x2E0]  }
0x1da: {  	v7 =	vld [tilespmem:$0x360];
	v2 =	vshll.u32 v2, $0xF  }
0x1db: {  	v1 =	vadd.s32 v1, v2;
	v2 =	vshll.u32 v3, $0xE;
	v3 =	vld [tilespmem:$0x3E0]  }
0x1dc: {  	v57 =	vld [tilespmem:$0x460];
	v1 =	vadd.s32 v2, v1;
	v2 =	vshll.u32 v4, $0xD  }
0x1dd: {  	v58 =	vld [tilespmem:$0x4E0];
	v1 =	vadd.s32 v2, v1;
	v2 =	vshll.u32 v5, $0xC  }
0x1de: {  	v59 =	vld [tilespmem:$0x560];
	v1 =	vadd.s32 v2, v1;
	v2 =	vshll.u32 v6, $0xB  }
0x1df: {  	v60 =	vld [tilespmem:$0x5E0];
	v1 =	vadd.s32 v2, v1;
	v2 =	vshll.u32 v7, $0xA  }
0x1e0: {  	v1 =	vadd.s32 v2, v1;
	v2 =	vshll.u32 v3, $0x9;
	v3 =	vld [tilespmem:$0x660]  }
0x1e1: {  	v61 =	vld [tilespmem:$0x6E0];
	v1 =	vadd.s32 v2, v1;
	v2 =	vshll.u32 v57, $0x8  }
0x1e2: {  	v62 =	vld [tilespmem:$0x760];
	v1 =	vadd.s32 v2, v1;
	v2 =	vshll.u32 v58, $0x7  }
0x1e3: {  	v63 =	vld [tilespmem:$0x7E0];
	v1 =	vadd.s32 v2, v1;
	v2 =	vshll.u32 v59, $0x6  }
0x1e4: {  	v1 =	vadd.s32 v2, v1;
	v2 =	vshll.u32 v60, $0x5  }
0x1e5: {  	v1 =	vadd.s32 v2, v1;
	v2 =	vshll.u32 v3, $0x4;
	v3 =	vld [tilespmem:$0x860]  }
0x1e6: {  	v1 =	vadd.s32 v2, v1;
	v2 =	vshll.u32 v61, $0x3  }
0x1e7: {  	v1 =	vadd.s32 v2, v1;
	v2 =	vshll.u32 v62, $0x2  }
0x1e8: {  	v1 =	vadd.s32 v2, v1;
	v2 =	vshll.u32 v63, $0x1  }
0x1e9: {  	v1 =	vadd.s32 v2, v1  }
0x1ea: {  	v1 =	vadd.s32 v3, v1  }
0x1eb: {  	s24 =	simm.s32 $0x0;
	vm0 =	vgt.s32 v1, $0x14E1F;
	v2 =	vadd.s32 $0xFFFEB1E0, v1  }
0x1ec: {  	v1 =	vsel vm0, v2, v1;
	v2 =	vmov s24  }
0x1ed: {  	v1 =	vxor.u32 $0x80000000, v1;
	vm11 =	veq.s32 v2, v0  }
0x1ee: {  	v2 =	vnsel vm11, $0x80000000, v1  }
0x1ef: {  	(xrf0) =	vmax.scan.msk.u32 $0xffff, v2;
	_ =	sdelay $0x5  }
0x1f0: {  	v2, _, _ =	vpop (xrf0)  }
0x1f1: {  	s25 =	simm.s32 $0x1;
	(v2sf) =	vpush v2, $0xF  }
0x1f2: {  	v2 =	vmov s25  }
0x1f3: {  	vm12 =	veq.s32 v2, v0  }
0x1f4: {  	s26 =	simm.s32 $0x2;
	v3 =	vnsel vm12, $0x80000000, v1  }
0x1f5: {  	s28 =	simm.s32 $0x3;
	v2 =	vmov s26;
	(xrf0) =	vmax.scan.msk.u32 $0xffff, v3  }
0x1f6: {  	vm13 =	veq.s32 v2, v0;
	v2 =	vmov s28  }
0x1f7: {  	v3 =	vnsel vm13, $0x80000000, v1;
	vm14 =	veq.s32 v2, v0  }
0x1f8: {  	(xrf0) =	vmax.scan.msk.u32 $0xffff, v3;
	v2 =	vnsel vm14, $0x80000000, v1  }
0x1f9: {  	(xrf0) =	vmax.scan.msk.u32 $0xffff, v2;
	_ =	sdelay $0x1  }
0x1fa: {  	s30 =	simm.s32 $0x4;
	v2, _, _ =	vpop (xrf0)  }
0x1fb: {  	v3 =	vmov s30;
	(v2sf) =	vpush v2, $0xF;
	_ =	sdelay $0x1  }
0x1fc: {  	v2, _, _ =	vpop (xrf0)  }
0x1fd: {  	vm15 =	veq.s32 v3, v0;
	(v2sf) =	vpush v2, $0xF;
	v3, _, _ =	vpop (xrf0)  }
0x1fe: {  	s29 =	spop (v2sf);
	(v2sf) =	vpush v3, $0xF;
	_ =	sdelay $0x5  }
0x1ff: {  	v2 =	vnsel vm15, $0x80000000, v1;
	s15 =	sshll.u32 s29, $0x4  }
0x200: {  	(xrf0) =	vmax.scan.msk.u32 $0xffff, v2;
	s17 =	sand.u32 $0x1FFFFFF0, s15  }
0x201: {  	s16 =	simm.s32 $0x5;
	s15 =	simm.s32 $0x3880;
	s31 =	sadd.s32 s3, s17  }
0x202: {  	[tilespmem:s15], [sflag:$0x1] =	stream.linear.gather [hbm4b:s31+s2], $0x80, $0x38;
	[tilespmem:$0x4880] =	vst v63  }
.LBB2_14:
0x203: {  	v2 =	vmov s16;
	p0 =	sne.s32 s16, $0xF;
	s16 =	sadd.s32 $0x1, s16  }
.Ltmp6:
0x204: {  	vm0 =	veq.s32 v2, v0;
	s17 =	spop (v2sf);
	(pc) =	sbr.rel @p0 .LBB2_14-.Ltmp6, $4  }
0x205: {  	v3 =	vnsel vm0, $0x80000000, v1;
	s17 =	sshll.u32 s17, $0x4  }
0x206: {  	(xrf0) =	vmax.scan.msk.u32 $0xffff, v3;
	v2, _, _ =	vpop (xrf0);
	s17 =	sand.u32 $0x1FFFFFF0, s17  }
0x207: {  	s15 =	sadd.s32 $0x80, s15;
	(v2sf) =	vpush v2, $0xF;
	s17 =	sadd.s32 s3, s17  }
0x208: {  	[tilespmem:s15], [sflag:$0x1] =	stream.linear.gather [hbm4b:s17+s2], $0x80, $0x38;
	[tilespmem:$0x4880] =	vst v63  }
0x209: {  	_ =	sdelay $0x2  }
0x20a: {  	v1, _, _ =	vpop (xrf0)  }
0x20b: {  	s16 =	spop (v2sf);
	(v2sf) =	vpush v1, $0xF;
	_ =	sdelay $0x1  }
0x20c: {  	s16 =	sshll.u32 s16, $0x4  }
0x20d: {  	s16 =	sand.u32 $0x1FFFFFF0, s16  }
0x20e: {  	s15 =	sadd.s32 $0x80, s15;
	s21 =	spop (v2sf);
	s16 =	sadd.s32 s3, s16  }
0x20f: {  	[tilespmem:s15], [sflag:$0x1] =	stream.linear.gather [hbm4b:s16+s2], $0x80, $0x38;
	[tilespmem:$0x4880] =	vst v63  }
0x210: {  	s16 =	sshll.u32 s21, $0x4  }
0x211: {  	s16 =	sand.u32 $0x1FFFFFF0, s16  }
0x212: {  	s15 =	sadd.s32 $0x80, s15;
	s16 =	sadd.s32 s3, s16  }
0x213: {  	[tilespmem:s15], [sflag:$0x1] =	stream.linear.gather [hbm4b:s16+s2], $0x80, $0x38;
	[tilespmem:$0x4880] =	vst v63  }
0x214: {  	s22 =	spop (v2sf)  }
0x215: {  	s16 =	sshll.u32 s22, $0x4  }
0x216: {  	s16 =	sand.u32 $0x1FFFFFF0, s16  }
0x217: {  	s15 =	sadd.s32 $0x80, s15;
	s16 =	sadd.s32 s3, s16  }
0x218: {  	[tilespmem:s15], [sflag:$0x1] =	stream.linear.gather [hbm4b:s16+s2], $0x80, $0x38;
	[tilespmem:$0x4880] =	vst v63  }
0x219: {  	s23 =	spop (v2sf)  }
0x21a: {  	s16 =	sshll.u32 s23, $0x4  }
0x21b: {  	s16 =	sand.u32 $0x1FFFFFF0, s16  }
0x21c: {  	s15 =	sadd.s32 $0x80, s15;
	s16 =	sadd.s32 s3, s16  }
0x21d: {  	[tilespmem:s15], [sflag:$0x1] =	stream.linear.gather [hbm4b:s16+s2], $0x80, $0x38;
	[tilespmem:$0x4880] =	vst v63  }
0x21e: {  	v1 =	vld [tilespmem:$0x70]  }
0x21f: {  	v2 =	vld [tilespmem:$0xF0]  }
0x220: {  	v3 =	vld [tilespmem:$0x170]  }
0x221: {  	v4 =	vld [tilespmem:$0x1F0]  }
0x222: {  	v5 =	vld [tilespmem:$0x270]  }
0x223: {  	v6 =	vld [tilespmem:$0x2F0]  }
0x224: {  	v7 =	vld [tilespmem:$0x370];
	v2 =	vshll.u32 v2, $0xF  }
0x225: {  	v1 =	vadd.s32 v1, v2;
	v2 =	vshll.u32 v3, $0xE;
	v3 =	vld [tilespmem:$0x3F0]  }
0x226: {  	v57 =	vld [tilespmem:$0x470];
	v1 =	vadd.s32 v2, v1;
	v2 =	vshll.u32 v4, $0xD  }
0x227: {  	v58 =	vld [tilespmem:$0x4F0];
	v1 =	vadd.s32 v2, v1;
	v2 =	vshll.u32 v5, $0xC  }
0x228: {  	v59 =	vld [tilespmem:$0x570];
	v1 =	vadd.s32 v2, v1;
	v2 =	vshll.u32 v6, $0xB  }
0x229: {  	v60 =	vld [tilespmem:$0x5F0];
	v1 =	vadd.s32 v2, v1;
	v2 =	vshll.u32 v7, $0xA  }
0x22a: {  	v1 =	vadd.s32 v2, v1;
	v2 =	vshll.u32 v3, $0x9;
	v3 =	vld [tilespmem:$0x670]  }
0x22b: {  	v61 =	vld [tilespmem:$0x6F0];
	v1 =	vadd.s32 v2, v1;
	v2 =	vshll.u32 v57, $0x8  }
0x22c: {  	v62 =	vld [tilespmem:$0x770];
	v1 =	vadd.s32 v2, v1;
	v2 =	vshll.u32 v58, $0x7  }
0x22d: {  	v63 =	vld [tilespmem:$0x7F0];
	v1 =	vadd.s32 v2, v1;
	v2 =	vshll.u32 v59, $0x6  }
0x22e: {  	v1 =	vadd.s32 v2, v1;
	v2 =	vshll.u32 v60, $0x5  }
0x22f: {  	v1 =	vadd.s32 v2, v1;
	v2 =	vshll.u32 v3, $0x4;
	v3 =	vld [tilespmem:$0x870]  }
0x230: {  	v1 =	vadd.s32 v2, v1;
	v2 =	vshll.u32 v61, $0x3  }
0x231: {  	v1 =	vadd.s32 v2, v1;
	v2 =	vshll.u32 v62, $0x2  }
0x232: {  	v1 =	vadd.s32 v2, v1;
	v2 =	vshll.u32 v63, $0x1  }
0x233: {  	v1 =	vadd.s32 v2, v1  }
0x234: {  	v1 =	vadd.s32 v3, v1  }
0x235: {  	s24 =	simm.s32 $0x0;
	vm0 =	vgt.s32 v1, $0x14E1F;
	v2 =	vadd.s32 $0xFFFEB1E0, v1  }
0x236: {  	v1 =	vsel vm0, v2, v1;
	v2 =	vmov s24  }
0x237: {  	v1 =	vxor.u32 $0x80000000, v1;
	vm11 =	veq.s32 v2, v0  }
0x238: {  	v2 =	vnsel vm11, $0x80000000, v1  }
0x239: {  	(xrf0) =	vmax.scan.msk.u32 $0xffff, v2;
	_ =	sdelay $0x5  }
0x23a: {  	v2, _, _ =	vpop (xrf0)  }
0x23b: {  	s25 =	simm.s32 $0x1;
	(v2sf) =	vpush v2, $0xF  }
0x23c: {  	v2 =	vmov s25  }
0x23d: {  	vm12 =	veq.s32 v2, v0  }
0x23e: {  	s26 =	simm.s32 $0x2;
	v3 =	vnsel vm12, $0x80000000, v1  }
0x23f: {  	s28 =	simm.s32 $0x3;
	v2 =	vmov s26;
	(xrf0) =	vmax.scan.msk.u32 $0xffff, v3  }
0x240: {  	vm13 =	veq.s32 v2, v0;
	v2 =	vmov s28  }
0x241: {  	v3 =	vnsel vm13, $0x80000000, v1;
	vm14 =	veq.s32 v2, v0  }
0x242: {  	(xrf0) =	vmax.scan.msk.u32 $0xffff, v3;
	v2 =	vnsel vm14, $0x80000000, v1  }
0x243: {  	(xrf0) =	vmax.scan.msk.u32 $0xffff, v2;
	_ =	sdelay $0x1  }
0x244: {  	s30 =	simm.s32 $0x4;
	v2, _, _ =	vpop (xrf0)  }
0x245: {  	v3 =	vmov s30;
	(v2sf) =	vpush v2, $0xF;
	_ =	sdelay $0x1  }
0x246: {  	v2, _, _ =	vpop (xrf0)  }
0x247: {  	vm15 =	veq.s32 v3, v0;
	(v2sf) =	vpush v2, $0xF;
	v3, _, _ =	vpop (xrf0)  }
0x248: {  	s29 =	spop (v2sf);
	(v2sf) =	vpush v3, $0xF;
	_ =	sdelay $0x5  }
0x249: {  	v2 =	vnsel vm15, $0x80000000, v1;
	s15 =	sshll.u32 s29, $0x4  }
0x24a: {  	(xrf0) =	vmax.scan.msk.u32 $0xffff, v2;
	s17 =	sand.u32 $0x1FFFFFF0, s15  }
0x24b: {  	s16 =	simm.s32 $0x5;
	s15 =	simm.s32 $0x4080;
	s31 =	sadd.s32 s3, s17  }
0x24c: {  	[tilespmem:s15], [sflag:$0x1] =	stream.linear.gather [hbm4b:s31+s2], $0x80, $0x38;
	[tilespmem:$0x4880] =	vst v63  }
.LBB2_16:
0x24d: {  	v2 =	vmov s16;
	p0 =	sne.s32 s16, $0xF;
	s16 =	sadd.s32 $0x1, s16  }
.Ltmp7:
0x24e: {  	vm0 =	veq.s32 v2, v0;
	s17 =	spop (v2sf);
	(pc) =	sbr.rel @p0 .LBB2_16-.Ltmp7, $4  }
0x24f: {  	v3 =	vnsel vm0, $0x80000000, v1;
	s17 =	sshll.u32 s17, $0x4  }
0x250: {  	(xrf0) =	vmax.scan.msk.u32 $0xffff, v3;
	v2, _, _ =	vpop (xrf0);
	s17 =	sand.u32 $0x1FFFFFF0, s17  }
0x251: {  	s15 =	sadd.s32 $0x80, s15;
	(v2sf) =	vpush v2, $0xF;
	s17 =	sadd.s32 s3, s17  }
0x252: {  	[tilespmem:s15], [sflag:$0x1] =	stream.linear.gather [hbm4b:s17+s2], $0x80, $0x38;
	[tilespmem:$0x4880] =	vst v63  }
0x253: {  	_ =	sdelay $0x2  }
0x254: {  	v1, _, _ =	vpop (xrf0)  }
0x255: {  	s16 =	spop (v2sf);
	(v2sf) =	vpush v1, $0xF;
	_ =	sdelay $0x1  }
0x256: {  	s16 =	sshll.u32 s16, $0x4  }
0x257: {  	s16 =	sand.u32 $0x1FFFFFF0, s16  }
0x258: {  	s15 =	sadd.s32 $0x80, s15;
	s29 =	spop (v2sf);
	s16 =	sadd.s32 s3, s16  }
0x259: {  	[tilespmem:s15], [sflag:$0x1] =	stream.linear.gather [hbm4b:s16+s2], $0x80, $0x38;
	[tilespmem:$0x4880] =	vst v63  }
0x25a: {  	s16 =	sshll.u32 s29, $0x4  }
0x25b: {  	s16 =	sand.u32 $0x1FFFFFF0, s16  }
0x25c: {  	s15 =	sadd.s32 $0x80, s15;
	s16 =	sadd.s32 s3, s16  }
0x25d: {  	[tilespmem:s15], [sflag:$0x1] =	stream.linear.gather [hbm4b:s16+s2], $0x80, $0x38;
	[tilespmem:$0x4880] =	vst v63  }
0x25e: {  	s30 =	spop (v2sf)  }
0x25f: {  	s16 =	sshll.u32 s30, $0x4  }
0x260: {  	s16 =	sand.u32 $0x1FFFFFF0, s16  }
0x261: {  	s15 =	sadd.s32 $0x80, s15;
	s16 =	sadd.s32 s3, s16  }
0x262: {  	[tilespmem:s15], [sflag:$0x1] =	stream.linear.gather [hbm4b:s16+s2], $0x80, $0x38;
	[tilespmem:$0x4880] =	vst v63  }
0x263: {  	s31 =	spop (v2sf)  }
0x264: {  	s16 =	sshll.u32 s31, $0x4  }
0x265: {  	s16 =	sand.u32 $0x1FFFFFF0, s16  }
0x266: {  	s15 =	sadd.s32 $0x80, s15;
	s16 =	sadd.s32 s3, s16  }
0x267: {  	[tilespmem:s15], [sflag:$0x1] =	stream.linear.gather [hbm4b:s16+s2], $0x80, $0x38;
	[tilespmem:$0x4880] =	vst v63  }
0x268: {  	s14 =	sadd.s32 $0x1, s14;
	_ =	swait.ge [sflag:s12], $0x4000  }
0x269: {  	p0 =	sne.s32 s14, s7;
	[sflag:s12] =	ssyncset.done $0x0  }
.Ltmp8:
0x26a: {  	[sflag:s12] =	ssyncadd.s32 $0xFFFFC000;
	(pc) =	sbr.rel @p0 .LBB2_1-.Ltmp8, $4  }
0x26b: {  	[hbm4b:s6+s2] =	stream.linear.scatter [tilespmem:s13], [sflag:$0x2], $0x4000, $0x38;
	[tilespmem:$0x4880] =	vst v63  }
0x26c: {  	_ =	swait.ge [sflag:s8], $0x4000  }
0x26d: {  	[sflag:s8] =	ssyncset.done $0x0  }
0x26e: {  	[sflag:s8] =	ssyncadd.s32 $0xFFFFC000  }
0x26f: {  	_ =	sfence.sel $0x180000  }
0x270: {  	[bflag:$0x0] =	sbarrier.arrive $0xFFFF  }
0x271: {  	p0 =	sne.s32 s1, $0x0;
	_ =	strace $0x90000047  }
0x272: {  	s0 =	sadd.s32 @!p0 $0x100000, s0;
	[bflag:$0x2] =	sbarrier.arrive $0xFFFF  }
0x273: {  	[sflag:s0] =	ssyncadd.tile.s32 @!p0 $0x1;
	_ =	shalt  }
.Lfunc_end2:
_tile_overlayer_lowered:
.L_overlay_start_2:
0x274: {  	(tag) =	ssettag $0x2  }
0x275: {  	s0 =	rddreg [dreg:$0x0];
	s2 =	stileid.u32  }
0x276: {  	s1 =	rddreg [dreg:$0x1];
	p0 =	sne.s32 s2, $0x0  }
0x277: {  	s3 =	rddreg [dreg:$0x2];
	[bflag:$0x3] =	sbarrier.arrive $0xFFFF;
	s2 =	simm.s32 @!p0 $0x1C02  }
0x278: {  	[timem:s3], [sflag:s2] =	dma.local @!p0 [hbm:s0], s1  }
0x279: {  	s0 =	simm.s32 @!p0 $0x2  }
0x27a: {  	_ =	swait.ge @!p0 [sflag:s0], s1  }
0x27b: {  	s1 =	ssub.s32 @!p0 $0x0, s1;
	[sflag:s0] =	ssyncset.done @!p0 $0x0  }
0x27c: {  	[sflag:s0] =	ssyncadd.s32 @!p0 s1  }
0x27d: {  	[bflag:$0x3] =	sbarrier.arrive $0xFFFF  }
0x27e: {  	_ =	shalt  }

</sc_bundles>
